<compile_context>
chip_gen: v7x
topology: tpu7x:2x2x1
jax: 0.10.2.dev20260603
libtpu: 0.0.44.dev20260713+nightly
codegen_flags: <defaults>
</compile_context>

<pallas_src>
import functools

import jax
import jax.numpy as jnp
from jax import lax
from jax.experimental import pallas as pl
from jax.experimental.pallas import tpu as pltpu
from jax.experimental.pallas import tpu_sc as plsc

_F32 = jnp.float32


def _kc_body(kmapt_ref, kc_ref):
    m = kmapt_ref[...].astype(_F32)
    K, N = m.shape
    kio = lax.broadcasted_iota(jnp.int32, (K, N), 0).astype(_F32)
    kc_ref[...] = jnp.sum(m * kio, axis=0)


def _kc_table(kmap):
    Q, K = kmap.shape
    QP = 102400
    kmapt = jnp.pad(kmap.astype(jnp.int8).T, ((0, 0), (0, QP - Q)))
    BQ = 4096
    kc = pl.pallas_call(
        _kc_body,
        grid=(QP // BQ,),
        in_specs=[pl.BlockSpec((K, BQ), lambda i: (0, i))],
        out_specs=pl.BlockSpec((BQ,), lambda i: (i,)),
        out_shape=jax.ShapeDtypeStruct((QP,), _F32),
    )(kmapt)
    return kc[:Q]


def _gather_tables(idx_flat, tables):
    UT = idx_flat.shape[0]
    NT = len(tables)
    info = plsc.get_sparse_core_info()
    NC, NS = info.num_cores, info.num_subcores
    NW = NC * NS
    BPW = UT // NW
    CH = 128
    NCHUNK = BPW // CH

    def body(idx_hbm, *refs):
        t_hbm = refs[:NT]
        outs = refs[NT:2 * NT]
        idx_v = refs[2 * NT]
        bufs = refs[2 * NT + 1:3 * NT + 1]
        sem = refs[3 * NT + 1]
        wid = lax.axis_index("s") * NC + lax.axis_index("c")
        base = wid * BPW
        pltpu.sync_copy(idx_hbm.at[pl.ds(base, BPW)], idx_v)

        GRP = 10

        def group(gi, carry):
            copies = []
            for cc in range(GRP):
                sl = pl.ds((gi * GRP + cc) * CH, CH)
                isl = idx_v.at[sl]
                for t in range(NT):
                    copies.append(
                        pltpu.async_copy(t_hbm[t].at[isl], bufs[t].at[sl],
                                         sem))
            for c in copies:
                c.wait()
            return carry

        lax.fori_loop(0, NCHUNK // GRP, group, 0)
        for t in range(NT):
            pltpu.sync_copy(bufs[t], outs[t].at[pl.ds(base, BPW)])

    mesh = plsc.VectorSubcoreMesh(core_axis_name="c", subcore_axis_name="s")
    out = jax.ShapeDtypeStruct((UT,), _F32)
    run = functools.partial(
        pl.kernel,
        mesh=mesh,
        out_type=[out] * NT,
        scratch_types=[pltpu.VMEM((BPW,), jnp.int32)]
        + [pltpu.VMEM((BPW,), _F32)] * NT
        + [pltpu.SemaphoreType.DMA],
    )(body)
    res = run(idx_flat, *tables)
    return list(res) if isinstance(res, (list, tuple)) else [res]


def _mlp_body(d_ref, s_ref, r_ref, w1t_ref, b1_ref, w2t_ref, b2_ref,
              w3t_ref, b3_ref, mu_ref, lm_ref):
    N = d_ref.shape[0]
    g = lambda v: 0.5 * v * (1.0 + lax.erf(v * 0.7071067811865476))

    x = jnp.concatenate(
        [d_ref[...][None, :], s_ref[...][None, :], r_ref[...][None, :]],
        axis=0)
    b1b = jnp.broadcast_to(b1_ref[...], (128, N))
    b2b = jnp.broadcast_to(b2_ref[...], (128, N))
    b3b = jnp.broadcast_to(b3_ref[...], (2, N))
    h1 = g(jnp.dot(w1t_ref[...], x, preferred_element_type=_F32) + b1b)
    h2 = g(jnp.dot(w2t_ref[...], h1, preferred_element_type=_F32) + b2b)
    o = g(jnp.dot(w3t_ref[...], h2, preferred_element_type=_F32) + b3b)
    mu_ref[...] = o[0, :]
    lm_ref[...] = jnp.exp(-jnp.maximum(o[1, :], 1e-8))


def _mlp(d, s, r, w1t, b1c, w2t, b2c, w3t, b3c):
    N = d.shape[0]
    BN = 8192
    blk = pl.BlockSpec((BN,), lambda i: (i,))
    full = lambda a: pl.BlockSpec(a.shape, lambda i: tuple(0 for _ in a.shape))
    out = jax.ShapeDtypeStruct((N,), _F32)
    return pl.pallas_call(
        _mlp_body,
        grid=(N // BN,),
        in_specs=[blk, blk, blk, full(w1t), full(b1c), full(w2t),
                  full(b2c), full(w3t), full(b3c)],
        out_specs=[blk, blk],
        out_shape=[out, out],
    )(d, s, r, w1t, b1c, w2t, b2c, w3t, b3c)


def _scan_body(mu_ref, lm_ref, kc_ref, out_ref, an_s, st_ref):
    T, U = mu_ref.shape
    K = st_ref.shape[0]

    def rev_step(i, carry):
        t = T - 1 - i
        sl = pl.ds(t, 1)
        an_s[sl, :] = carry
        lm = lm_ref[sl, :]
        return (lm + carry) / (1.0 + lm + carry)

    lax.fori_loop(0, T, rev_step, jnp.zeros((1, U), _F32))

    st_ref[...] = jnp.zeros((K, U), _F32)
    kiota = lax.broadcasted_iota(jnp.int32, (K, U), 0).astype(_F32)

    def fwd_step(t, carry):
        sl = pl.ds(t, 1)
        sel = kiota == kc_ref[sl, :]
        state = st_ref[...]
        prev = jnp.sum(jnp.where(sel, state, 0.0), axis=0, keepdims=True)
        a = an_s[sl, :]
        mu = mu_ref[sl, :]
        lm = lm_ref[sl, :]
        mt = (prev + mu * lm + a * a) / (1.0 + lm + a)
        st_ref[...] = jnp.where(sel, mt, state)
        out_ref[sl, :] = mt
        return carry

    lax.fori_loop(0, T, fwd_step, 0)


def _scan(mu, lm, kc):
    T, U = mu.shape
    K = 64
    return pl.pallas_call(
        _scan_body,
        out_shape=jax.ShapeDtypeStruct((T, U), _F32),
        scratch_shapes=[
            pltpu.VMEM((T, U), _F32),
            pltpu.VMEM((K, U), _F32),
        ],
    )(mu, lm, kc)


def kernel(mask, q_id, kmap, resp, diff_mu_w, diff_logvar_w, disc_mu_w,
           disc_logvar_w, W1, b1, W2, b2, W3, b3):
    U, T = q_id.shape
    idx = q_id.T.reshape(-1).astype(jnp.int32)
    r = resp.T.astype(_F32).reshape(-1)

    gd, gs = _gather_tables(idx, [diff_mu_w.reshape(-1),
                                  disc_mu_w.reshape(-1)])
    kcf = _kc_table(kmap)
    mu, lm = _mlp(gd, gs, r, W1.T, b1[:, None], W2.T, b2[:, None],
                  W3.T, b3[:, None])
    gk, = _gather_tables(idx, [kcf])
    out = _scan(mu.reshape(T, U), lm.reshape(T, U), gk.reshape(T, U))
    return out.T

# --- scband reference (transcript-rebuilt; emitter-appended) ---
"""Pipeline reference for scband-vtirtmulti-kc-20658792694284 (READ-ONLY COPY).

The authoritative reference and input builder live on the scoring server;
editing this copy changes nothing except your own understanding.
"""

import jax, jax.numpy as jnp
import numpy as np


def _gelu(x):
    return jax.nn.gelu(x, approximate=False)


def setup_inputs(seed: int = 0) -> dict:
    key = jax.random.key(seed)
    U, T, Q, K, H = 1024, 200, 100000, 64, 128
    ks = jax.random.split(key, 12)
    q_id = jax.random.randint(ks[0], (U, T), 0, Q)
    mask = jnp.ones((U, T), dtype=bool)
    resp = jax.random.randint(ks[1], (U, T), 0, 2).astype(bool)
    # one KC per question so masked_select/masked_scatter sizes are constant
    # across timesteps (required for the original recursion to broadcast).
    kc_id = jax.random.randint(ks[2], (Q,), 0, K)
    kmap = (jnp.arange(K)[None, :] == kc_id[:, None])
    diff_mu_w = jax.random.normal(ks[3], (Q, 1)) * 0.1
    diff_logvar_w = jax.random.normal(ks[4], (Q, 1)) * 0.1
    disc_mu_w = jax.random.normal(ks[5], (Q, 1)) * 0.1
    disc_logvar_w = jax.random.normal(ks[6], (Q, 1)) * 0.1
    W1 = jax.random.normal(ks[7], (3, H)) * (1.0 / np.sqrt(3.0))
    b1 = jnp.zeros((H,))
    W2 = jax.random.normal(ks[8], (H, H)) * (1.0 / np.sqrt(H))
    b2 = jnp.zeros((H,))
    W3 = jax.random.normal(ks[9], (H, 2)) * (1.0 / np.sqrt(H))
    b3 = jnp.zeros((2,))
    return {"mask": mask, "q_id": q_id, "kmap": kmap, "resp": resp,
            "diff_mu_w": diff_mu_w, "diff_logvar_w": diff_logvar_w,
            "disc_mu_w": disc_mu_w, "disc_logvar_w": disc_logvar_w,
            "W1": W1, "b1": b1, "W2": W2, "b2": b2, "W3": W3, "b3": b3}


def reference(mask, q_id, kmap, resp, diff_mu_w, diff_logvar_w, disc_mu_w,
              disc_logvar_w, W1, b1, W2, b2, W3, b3):
    # Deterministic (mean-field mean) translation of VTIRTMultiKC.guide +
    # get_posterior_ability_params + sample_posterior_ability; pyro.sample
    # replaced by the distribution mean.
    U, T = q_id.shape
    Q, K = kmap.shape
    std_theta = 1.0
    lmda_theta = 1.0 / std_theta ** 2
    diff = diff_mu_w[:, 0]
    disc = disc_mu_w[:, 0]
    kc_id = jnp.argmax(kmap, axis=1)          # one-hot rows -> kc index per question
    trial_kc = kc_id[q_id]                    # (U,T) gather
    trial_diff = diff[q_id]                   # (U,T) embedding gather
    trial_disc = disc[q_id]
    inp = jnp.stack([trial_diff.T, trial_disc.T, resp.T.astype(jnp.float32)], axis=-1)  # (T,U,3)
    h = _gelu(inp @ W1 + b1)
    h = _gelu(h @ W2 + b2)
    out = _gelu(h @ W3 + b3)                  # (T,U,2) == ab_poten per trial
    mu = out[..., 0]
    logvar = jnp.clip(out[..., 1], 1e-8, None)
    lmda = jnp.exp(-logvar)

    def bwd_step(carry, x):
        a_next, b_next = carry
        mu_t, lmda_t = x
        a_t = (lmda_t + a_next * lmda_theta) / (lmda_theta + lmda_t + a_next * lmda_theta)
        b_t = (lmda_t * mu_t + a_t * lmda_t * b_next) / (lmda_t + a_t * lmda_t)
        return (a_t, b_t), (a_t, b_t)

    zero = jnp.zeros((U,))
    _, (alphas, betas) = jax.lax.scan(bwd_step, (zero, zero), (mu, lmda), reverse=True)
    alpha_next = jnp.concatenate([alphas[1:], zero[None]], axis=0)
    # original code sets beta_next = alpha_lst[t+1]; replicated faithfully
    beta_next = alpha_next
    u_idx = jnp.arange(U)

    def fwd_step(curr, x):
        mu_t, lmda_t, a_next_t, b_next_t, kc_t = x
        ability_prev = curr[u_idx, kc_t]       # masked_select (gather)
        mu_tilde = (lmda_theta * ability_prev + mu_t * lmda_t + a_next_t * lmda_theta * b_next_t) / (lmda_theta + lmda_t + a_next_t * lmda_theta)
        new = curr.at[u_idx, kc_t].set(mu_tilde)  # masked_scatter (overwrite)
        return new, new

    _, tak = jax.lax.scan(fwd_step, jnp.zeros((U, K)), (mu, lmda, alpha_next, beta_next, trial_kc.T))
    tak = jnp.transpose(tak, (1, 0, 2))        # (U,T,K)
    tkm = kmap[q_id].astype(jnp.float32)       # (U,T,K)
    trial_ability = (tak * tkm).sum(-1) / jnp.clip(tkm.sum(-1), 1e-8, None)
    return trial_ability

if __name__ == "__main__":
    import jax
    _d = setup_inputs()
    print(jax.jit(kernel)(*tuple(_d.values())))

</pallas_src>

<mosaic_0001>
#map = affine_map<(d0, d1) -> (0)>
module attributes {stable_mosaic.version = 14 : i64} {
  func.func @body(%arg0: i32, %arg1: i32, %arg2: memref<204800xi32, #tpu.memory_space<hbm>>, %arg3: memref<100000xf32, #tpu.memory_space<hbm>>, %arg4: memref<100000xf32, #tpu.memory_space<hbm>>, %arg5: memref<204800xf32, #tpu.memory_space<hbm>>, %arg6: memref<204800xf32, #tpu.memory_space<hbm>>, %arg7: memref<6400xi32, #tpu.memory_space<vmem>>, %arg8: memref<6400xf32, #tpu.memory_space<vmem>>, %arg9: memref<6400xf32, #tpu.memory_space<vmem>>, %arg10: memref<!tpu.dma_semaphore, #tpu.memory_space<semaphore_mem>>) attributes {dimension_semantics = [#tpu.dimension_semantics<core_parallel>, #tpu.dimension_semantics<subcore_parallel>], iteration_bounds = array<i64: 2, 16>, scalar_prefetch = 0 : i64, scratch_operands = 4 : i64, tpu.core_type = #tpu.core_type<sc_vector_subcore>, window_params = [{transform_indices = #map}, {transform_indices = #map}, {transform_indices = #map}, {transform_indices = #map}, {transform_indices = #map}]} {
    %mul3A = arith.constant 2 : i32
    %mul3A_0 = arith.muli %arg1, %mul3A : i32
    %add3A = arith.addi %mul3A_0, %arg0 : i32
    %mul3A_1 = arith.constant 6400 : i32
    %mul3A_2 = arith.muli %add3A, %mul3A_1 : i32
    "tpu.region"() ({
      %run_scoped3A = tpu.sem_alloc : memref<!tpu.dma_semaphore, #tpu.memory_space<semaphore_mem>>
      %dma_start3A = tpu.memref_slice %arg2[%mul3A_2] : memref<204800xi32, #tpu.memory_space<hbm>> -> memref<6400xi32, #tpu.memory_space<hbm>>
      %dma_start3A_8 = tpu.memref_slice %arg2[%mul3A_2] : memref<204800xi32, #tpu.memory_space<hbm>> -> memref<6400xi32, #tpu.memory_space<hbm>>
      tpu.enqueue_dma source(%dma_start3A_8 : memref<6400xi32, #tpu.memory_space<hbm>>) target(%arg7 : memref<6400xi32, #tpu.memory_space<vmem>>) target_semaphore(%run_scoped3A : memref<!tpu.dma_semaphore, #tpu.memory_space<semaphore_mem>>)
      %dma_wait3A = tpu.memref_slice %arg2[%mul3A_2] : memref<204800xi32, #tpu.memory_space<hbm>> -> memref<6400xi32, #tpu.memory_space<hbm>>
      %dma_wait3A_9 = tpu.memref_slice %arg2[%mul3A_2] : memref<204800xi32, #tpu.memory_space<hbm>> -> memref<6400xi32, #tpu.memory_space<hbm>>
      tpu.wait_dma2 semaphore(%run_scoped3A : memref<!tpu.dma_semaphore, #tpu.memory_space<semaphore_mem>>) src(%dma_wait3A_9 : memref<6400xi32, #tpu.memory_space<hbm>>) dst(%arg7 : memref<6400xi32, #tpu.memory_space<vmem>>)
      tpu.yield
    }) : () -> ()
    %scan3A = arith.constant 0 : i32
    %scan3A_3 = arith.constant 0 : i32
    %scan3A_4 = arith.constant 5 : i32
    %scan3A_5 = arith.addi %scan3A_3, %scan3A_4 : i32
    %scan3A_6 = arith.constant 1 : i32
    scf.for %scan3A_8 = %scan3A_3 to %scan3A_5 step %scan3A_6  : i32 {
      %mul3A_9 = arith.constant 10 : i32
      %mul3A_10 = arith.muli %scan3A_8, %mul3A_9 : i32
      %add3A_11 = arith.constant 0 : i32
      %add3A_12 = arith.addi %mul3A_10, %add3A_11 : i32
      %mul3A_13 = arith.constant 128 : i32
      %mul3A_14 = arith.muli %add3A_12, %mul3A_13 : i32
      %dma_start3A = tpu.memref_slice %arg8[%mul3A_14] : memref<6400xf32, #tpu.memory_space<vmem>> -> memref<128xf32, #tpu.memory_space<vmem>>
      %dma_start3A_15 = tpu.memref_slice %arg7[%mul3A_14] : memref<6400xi32, #tpu.memory_space<vmem>> -> memref<128xi32, #tpu.memory_space<vmem>>
      %dma_start3A_16 = arith.constant 0 : i32
      %dma_start3A_17 = tpu.memref_slice %arg3[%dma_start3A_16] : memref<100000xf32, #tpu.memory_space<hbm>> -> memref<100000xf32, #tpu.memory_space<hbm>>
      tpu.enqueue_indirect_dma source(%dma_start3A_17 : memref<100000xf32, #tpu.memory_space<hbm>>) target(%dma_start3A : memref<128xf32, #tpu.memory_space<vmem>>) offsets(%dma_start3A_15 : memref<128xi32, #tpu.memory_space<vmem>>) semaphore(%arg10 : memref<!tpu.dma_semaphore, #tpu.memory_space<semaphore_mem>>)
      %dma_start3A_18 = tpu.memref_slice %arg9[%mul3A_14] : memref<6400xf32, #tpu.memory_space<vmem>> -> memref<128xf32, #tpu.memory_space<vmem>>
      %dma_start3A_19 = tpu.memref_slice %arg7[%mul3A_14] : memref<6400xi32, #tpu.memory_space<vmem>> -> memref<128xi32, #tpu.memory_space<vmem>>
      %dma_start3A_20 = arith.constant 0 : i32
      %dma_start3A_21 = tpu.memref_slice %arg4[%dma_start3A_20] : memref<100000xf32, #tpu.memory_space<hbm>> -> memref<100000xf32, #tpu.memory_space<hbm>>
      tpu.enqueue_indirect_dma source(%dma_start3A_21 : memref<100000xf32, #tpu.memory_space<hbm>>) target(%dma_start3A_18 : memref<128xf32, #tpu.memory_space<vmem>>) offsets(%dma_start3A_19 : memref<128xi32, #tpu.memory_space<vmem>>) semaphore(%arg10 : memref<!tpu.dma_semaphore, #tpu.memory_space<semaphore_mem>>)
      %mul3A_22 = arith.constant 10 : i32
      %mul3A_23 = arith.muli %scan3A_8, %mul3A_22 : i32
      %add3A_24 = arith.constant 1 : i32
      %add3A_25 = arith.addi %mul3A_23, %add3A_24 : i32
      %mul3A_26 = arith.constant 128 : i32
      %mul3A_27 = arith.muli %add3A_25, %mul3A_26 : i32
      %dma_start3A_28 = tpu.memref_slice %arg8[%mul3A_27] : memref<6400xf32, #tpu.memory_space<vmem>> -> memref<128xf32, #tpu.memory_space<vmem>>
      %dma_start3A_29 = tpu.memref_slice %arg7[%mul3A_27] : memref<6400xi32, #tpu.memory_space<vmem>> -> memref<128xi32, #tpu.memory_space<vmem>>
      %dma_start3A_30 = arith.constant 0 : i32
      %dma_start3A_31 = tpu.memref_slice %arg3[%dma_start3A_30] : memref<100000xf32, #tpu.memory_space<hbm>> -> memref<100000xf32, #tpu.memory_space<hbm>>
      tpu.enqueue_indirect_dma source(%dma_start3A_31 : memref<100000xf32, #tpu.memory_space<hbm>>) target(%dma_start3A_28 : memref<128xf32, #tpu.memory_space<vmem>>) offsets(%dma_start3A_29 : memref<128xi32, #tpu.memory_space<vmem>>) semaphore(%arg10 : memref<!tpu.dma_semaphore, #tpu.memory_space<semaphore_mem>>)
      %dma_start3A_32 = tpu.memref_slice %arg9[%mul3A_27] : memref<6400xf32, #tpu.memory_space<vmem>> -> memref<128xf32, #tpu.memory_space<vmem>>
      %dma_start3A_33 = tpu.memref_slice %arg7[%mul3A_27] : memref<6400xi32, #tpu.memory_space<vmem>> -> memref<128xi32, #tpu.memory_space<vmem>>
      %dma_start3A_34 = arith.constant 0 : i32
      %dma_start3A_35 = tpu.memref_slice %arg4[%dma_start3A_34] : memref<100000xf32, #tpu.memory_space<hbm>> -> memref<100000xf32, #tpu.memory_space<hbm>>
      tpu.enqueue_indirect_dma source(%dma_start3A_35 : memref<100000xf32, #tpu.memory_space<hbm>>) target(%dma_start3A_32 : memref<128xf32, #tpu.memory_space<vmem>>) offsets(%dma_start3A_33 : memref<128xi32, #tpu.memory_space<vmem>>) semaphore(%arg10 : memref<!tpu.dma_semaphore, #tpu.memory_space<semaphore_mem>>)
      %mul3A_36 = arith.constant 10 : i32
      %mul3A_37 = arith.muli %scan3A_8, %mul3A_36 : i32
      %add3A_38 = arith.constant 2 : i32
      %add3A_39 = arith.addi %mul3A_37, %add3A_38 : i32
      %mul3A_40 = arith.constant 128 : i32
      %mul3A_41 = arith.muli %add3A_39, %mul3A_40 : i32
      %dma_start3A_42 = tpu.memref_slice %arg8[%mul3A_41] : memref<6400xf32, #tpu.memory_space<vmem>> -> memref<128xf32, #tpu.memory_space<vmem>>
      %dma_start3A_43 = tpu.memref_slice %arg7[%mul3A_41] : memref<6400xi32, #tpu.memory_space<vmem>> -> memref<128xi32, #tpu.memory_space<vmem>>
      %dma_start3A_44 = arith.constant 0 : i32
      %dma_start3A_45 = tpu.memref_slice %arg3[%dma_start3A_44] : memref<100000xf32, #tpu.memory_space<hbm>> -> memref<100000xf32, #tpu.memory_space<hbm>>
      tpu.enqueue_indirect_dma source(%dma_start3A_45 : memref<100000xf32, #tpu.memory_space<hbm>>) target(%dma_start3A_42 : memref<128xf32, #tpu.memory_space<vmem>>) offsets(%dma_start3A_43 : memref<128xi32, #tpu.memory_space<vmem>>) semaphore(%arg10 : memref<!tpu.dma_semaphore, #tpu.memory_space<semaphore_mem>>)
      %dma_start3A_46 = tpu.memref_slice %arg9[%mul3A_41] : memref<6400xf32, #tpu.memory_space<vmem>> -> memref<128xf32, #tpu.memory_space<vmem>>
      %dma_start3A_47 = tpu.memref_slice %arg7[%mul3A_41] : memref<6400xi32, #tpu.memory_space<vmem>> -> memref<128xi32, #tpu.memory_space<vmem>>
      %dma_start3A_48 = arith.constant 0 : i32
      %dma_start3A_49 = tpu.memref_slice %arg4[%dma_start3A_48] : memref<100000xf32, #tpu.memory_space<hbm>> -> memref<100000xf32, #tpu.memory_space<hbm>>
      tpu.enqueue_indirect_dma source(%dma_start3A_49 : memref<100000xf32, #tpu.memory_space<hbm>>) target(%dma_start3A_46 : memref<128xf32, #tpu.memory_space<vmem>>) offsets(%dma_start3A_47 : memref<128xi32, #tpu.memory_space<vmem>>) semaphore(%arg10 : memref<!tpu.dma_semaphore, #tpu.memory_space<semaphore_mem>>)
      %mul3A_50 = arith.constant 10 : i32
      %mul3A_51 = arith.muli %scan3A_8, %mul3A_50 : i32
      %add3A_52 = arith.constant 3 : i32
      %add3A_53 = arith.addi %mul3A_51, %add3A_52 : i32
      %mul3A_54 = arith.constant 128 : i32
      %mul3A_55 = arith.muli %add3A_53, %mul3A_54 : i32
      %dma_start3A_56 = tpu.memref_slice %arg8[%mul3A_55] : memref<6400xf32, #tpu.memory_space<vmem>> -> memref<128xf32, #tpu.memory_space<vmem>>
      %dma_start3A_57 = tpu.memref_slice %arg7[%mul3A_55] : memref<6400xi32, #tpu.memory_space<vmem>> -> memref<128xi32, #tpu.memory_space<vmem>>
      %dma_start3A_58 = arith.constant 0 : i32
      %dma_start3A_59 = tpu.memref_slice %arg3[%dma_start3A_58] : memref<100000xf32, #tpu.memory_space<hbm>> -> memref<100000xf32, #tpu.memory_space<hbm>>
      tpu.enqueue_indirect_dma source(%dma_start3A_59 : memref<100000xf32, #tpu.memory_space<hbm>>) target(%dma_start3A_56 : memref<128xf32, #tpu.memory_space<vmem>>) offsets(%dma_start3A_57 : memref<128xi32, #tpu.memory_space<vmem>>) semaphore(%arg10 : memref<!tpu.dma_semaphore, #tpu.memory_space<semaphore_mem>>)
      %dma_start3A_60 = tpu.memref_slice %arg9[%mul3A_55] : memref<6400xf32, #tpu.memory_space<vmem>> -> memref<128xf32, #tpu.memory_space<vmem>>
      %dma_start3A_61 = tpu.memref_slice %arg7[%mul3A_55] : memref<6400xi32, #tpu.memory_space<vmem>> -> memref<128xi32, #tpu.memory_space<vmem>>
      %dma_start3A_62 = arith.constant 0 : i32
      %dma_start3A_63 = tpu.memref_slice %arg4[%dma_start3A_62] : memref<100000xf32, #tpu.memory_space<hbm>> -> memref<100000xf32, #tpu.memory_space<hbm>>
      tpu.enqueue_indirect_dma source(%dma_start3A_63 : memref<100000xf32, #tpu.memory_space<hbm>>) target(%dma_start3A_60 : memref<128xf32, #tpu.memory_space<vmem>>) offsets(%dma_start3A_61 : memref<128xi32, #tpu.memory_space<vmem>>) semaphore(%arg10 : memref<!tpu.dma_semaphore, #tpu.memory_space<semaphore_mem>>)
      %mul3A_64 = arith.constant 10 : i32
      %mul3A_65 = arith.muli %scan3A_8, %mul3A_64 : i32
      %add3A_66 = arith.constant 4 : i32
      %add3A_67 = arith.addi %mul3A_65, %add3A_66 : i32
      %mul3A_68 = arith.constant 128 : i32
      %mul3A_69 = arith.muli %add3A_67, %mul3A_68 : i32
      %dma_start3A_70 = tpu.memref_slice %arg8[%mul3A_69] : memref<6400xf32, #tpu.memory_space<vmem>> -> memref<128xf32, #tpu.memory_space<vmem>>
      %dma_start3A_71 = tpu.memref_slice %arg7[%mul3A_69] : memref<6400xi32, #tpu.memory_space<vmem>> -> memref<128xi32, #tpu.memory_space<vmem>>
      %dma_start3A_72 = arith.constant 0 : i32
      %dma_start3A_73 = tpu.memref_slice %arg3[%dma_start3A_72] : memref<100000xf32, #tpu.memory_space<hbm>> -> memref<100000xf32, #tpu.memory_space<hbm>>
      tpu.enqueue_indirect_dma source(%dma_start3A_73 : memref<100000xf32, #tpu.memory_space<hbm>>) target(%dma_start3A_70 : memref<128xf32, #tpu.memory_space<vmem>>) offsets(%dma_start3A_71 : memref<128xi32, #tpu.memory_space<vmem>>) semaphore(%arg10 : memref<!tpu.dma_semaphore, #tpu.memory_space<semaphore_mem>>)
      %dma_start3A_74 = tpu.memref_slice %arg9[%mul3A_69] : memref<6400xf32, #tpu.memory_space<vmem>> -> memref<128xf32, #tpu.memory_space<vmem>>
      %dma_start3A_75 = tpu.memref_slice %arg7[%mul3A_69] : memref<6400xi32, #tpu.memory_space<vmem>> -> memref<128xi32, #tpu.memory_space<vmem>>
      %dma_start3A_76 = arith.constant 0 : i32
      %dma_start3A_77 = tpu.memref_slice %arg4[%dma_start3A_76] : memref<100000xf32, #tpu.memory_space<hbm>> -> memref<100000xf32, #tpu.memory_space<hbm>>
      tpu.enqueue_indirect_dma source(%dma_start3A_77 : memref<100000xf32, #tpu.memory_space<hbm>>) target(%dma_start3A_74 : memref<128xf32, #tpu.memory_space<vmem>>) offsets(%dma_start3A_75 : memref<128xi32, #tpu.memory_space<vmem>>) semaphore(%arg10 : memref<!tpu.dma_semaphore, #tpu.memory_space<semaphore_mem>>)
      %mul3A_78 = arith.constant 10 : i32
      %mul3A_79 = arith.muli %scan3A_8, %mul3A_78 : i32
      %add3A_80 = arith.constant 5 : i32
      %add3A_81 = arith.addi %mul3A_79, %add3A_80 : i32
      %mul3A_82 = arith.constant 128 : i32
      %mul3A_83 = arith.muli %add3A_81, %mul3A_82 : i32
      %dma_start3A_84 = tpu.memref_slice %arg8[%mul3A_83] : memref<6400xf32, #tpu.memory_space<vmem>> -> memref<128xf32, #tpu.memory_space<vmem>>
      %dma_start3A_85 = tpu.memref_slice %arg7[%mul3A_83] : memref<6400xi32, #tpu.memory_space<vmem>> -> memref<128xi32, #tpu.memory_space<vmem>>
      %dma_start3A_86 = arith.constant 0 : i32
      %dma_start3A_87 = tpu.memref_slice %arg3[%dma_start3A_86] : memref<100000xf32, #tpu.memory_space<hbm>> -> memref<100000xf32, #tpu.memory_space<hbm>>
      tpu.enqueue_indirect_dma source(%dma_start3A_87 : memref<100000xf32, #tpu.memory_space<hbm>>) target(%dma_start3A_84 : memref<128xf32, #tpu.memory_space<vmem>>) offsets(%dma_start3A_85 : memref<128xi32, #tpu.memory_space<vmem>>) semaphore(%arg10 : memref<!tpu.dma_semaphore, #tpu.memory_space<semaphore_mem>>)
      %dma_start3A_88 = tpu.memref_slice %arg9[%mul3A_83] : memref<6400xf32, #tpu.memory_space<vmem>> -> memref<128xf32, #tpu.memory_space<vmem>>
      %dma_start3A_89 = tpu.memref_slice %arg7[%mul3A_83] : memref<6400xi32, #tpu.memory_space<vmem>> -> memref<128xi32, #tpu.memory_space<vmem>>
      %dma_start3A_90 = arith.constant 0 : i32
      %dma_start3A_91 = tpu.memref_slice %arg4[%dma_start3A_90] : memref<100000xf32, #tpu.memory_space<hbm>> -> memref<100000xf32, #tpu.memory_space<hbm>>
      tpu.enqueue_indirect_dma source(%dma_start3A_91 : memref<100000xf32, #tpu.memory_space<hbm>>) target(%dma_start3A_88 : memref<128xf32, #tpu.memory_space<vmem>>) offsets(%dma_start3A_89 : memref<128xi32, #tpu.memory_space<vmem>>) semaphore(%arg10 : memref<!tpu.dma_semaphore, #tpu.memory_space<semaphore_mem>>)
      %mul3A_92 = arith.constant 10 : i32
      %mul3A_93 = arith.muli %scan3A_8, %mul3A_92 : i32
      %add3A_94 = arith.constant 6 : i32
      %add3A_95 = arith.addi %mul3A_93, %add3A_94 : i32
      %mul3A_96 = arith.constant 128 : i32
      %mul3A_97 = arith.muli %add3A_95, %mul3A_96 : i32
      %dma_start3A_98 = tpu.memref_slice %arg8[%mul3A_97] : memref<6400xf32, #tpu.memory_space<vmem>> -> memref<128xf32, #tpu.memory_space<vmem>>
      %dma_start3A_99 = tpu.memref_slice %arg7[%mul3A_97] : memref<6400xi32, #tpu.memory_space<vmem>> -> memref<128xi32, #tpu.memory_space<vmem>>
      %dma_start3A_100 = arith.constant 0 : i32
      %dma_start3A_101 = tpu.memref_slice %arg3[%dma_start3A_100] : memref<100000xf32, #tpu.memory_space<hbm>> -> memref<100000xf32, #tpu.memory_space<hbm>>
      tpu.enqueue_indirect_dma source(%dma_start3A_101 : memref<100000xf32, #tpu.memory_space<hbm>>) target(%dma_start3A_98 : memref<128xf32, #tpu.memory_space<vmem>>) offsets(%dma_start3A_99 : memref<128xi32, #tpu.memory_space<vmem>>) semaphore(%arg10 : memref<!tpu.dma_semaphore, #tpu.memory_space<semaphore_mem>>)
      %dma_start3A_102 = tpu.memref_slice %arg9[%mul3A_97] : memref<6400xf32, #tpu.memory_space<vmem>> -> memref<128xf32, #tpu.memory_space<vmem>>
      %dma_start3A_103 = tpu.memref_slice %arg7[%mul3A_97] : memref<6400xi32, #tpu.memory_space<vmem>> -> memref<128xi32, #tpu.memory_space<vmem>>
      %dma_start3A_104 = arith.constant 0 : i32
      %dma_start3A_105 = tpu.memref_slice %arg4[%dma_start3A_104] : memref<100000xf32, #tpu.memory_space<hbm>> -> memref<100000xf32, #tpu.memory_space<hbm>>
      tpu.enqueue_indirect_dma source(%dma_start3A_105 : memref<100000xf32, #tpu.memory_space<hbm>>) target(%dma_start3A_102 : memref<128xf32, #tpu.memory_space<vmem>>) offsets(%dma_start3A_103 : memref<128xi32, #tpu.memory_space<vmem>>) semaphore(%arg10 : memref<!tpu.dma_semaphore, #tpu.memory_space<semaphore_mem>>)
      %mul3A_106 = arith.constant 10 : i32
      %mul3A_107 = arith.muli %scan3A_8, %mul3A_106 : i32
      %add3A_108 = arith.constant 7 : i32
      %add3A_109 = arith.addi %mul3A_107, %add3A_108 : i32
      %mul3A_110 = arith.constant 128 : i32
      %mul3A_111 = arith.muli %add3A_109, %mul3A_110 : i32
      %dma_start3A_112 = tpu.memref_slice %arg8[%mul3A_111] : memref<6400xf32, #tpu.memory_space<vmem>> -> memref<128xf32, #tpu.memory_space<vmem>>
      %dma_start3A_113 = tpu.memref_slice %arg7[%mul3A_111] : memref<6400xi32, #tpu.memory_space<vmem>> -> memref<128xi32, #tpu.memory_space<vmem>>
      %dma_start3A_114 = arith.constant 0 : i32
      %dma_start3A_115 = tpu.memref_slice %arg3[%dma_start3A_114] : memref<100000xf32, #tpu.memory_space<hbm>> -> memref<100000xf32, #tpu.memory_space<hbm>>
      tpu.enqueue_indirect_dma source(%dma_start3A_115 : memref<100000xf32, #tpu.memory_space<hbm>>) target(%dma_start3A_112 : memref<128xf32, #tpu.memory_space<vmem>>) offsets(%dma_start3A_113 : memref<128xi32, #tpu.memory_space<vmem>>) semaphore(%arg10 : memref<!tpu.dma_semaphore, #tpu.memory_space<semaphore_mem>>)
      %dma_start3A_116 = tpu.memref_slice %arg9[%mul3A_111] : memref<6400xf32, #tpu.memory_space<vmem>> -> memref<128xf32, #tpu.memory_space<vmem>>
      %dma_start3A_117 = tpu.memref_slice %arg7[%mul3A_111] : memref<6400xi32, #tpu.memory_space<vmem>> -> memref<128xi32, #tpu.memory_space<vmem>>
      %dma_start3A_118 = arith.constant 0 : i32
      %dma_start3A_119 = tpu.memref_slice %arg4[%dma_start3A_118] : memref<100000xf32, #tpu.memory_space<hbm>> -> memref<100000xf32, #tpu.memory_space<hbm>>
      tpu.enqueue_indirect_dma source(%dma_start3A_119 : memref<100000xf32, #tpu.memory_space<hbm>>) target(%dma_start3A_116 : memref<128xf32, #tpu.memory_space<vmem>>) offsets(%dma_start3A_117 : memref<128xi32, #tpu.memory_space<vmem>>) semaphore(%arg10 : memref<!tpu.dma_semaphore, #tpu.memory_space<semaphore_mem>>)
      %mul3A_120 = arith.constant 10 : i32
      %mul3A_121 = arith.muli %scan3A_8, %mul3A_120 : i32
      %add3A_122 = arith.constant 8 : i32
      %add3A_123 = arith.addi %mul3A_121, %add3A_122 : i32
      %mul3A_124 = arith.constant 128 : i32
      %mul3A_125 = arith.muli %add3A_123, %mul3A_124 : i32
      %dma_start3A_126 = tpu.memref_slice %arg8[%mul3A_125] : memref<6400xf32, #tpu.memory_space<vmem>> -> memref<128xf32, #tpu.memory_space<vmem>>
      %dma_start3A_127 = tpu.memref_slice %arg7[%mul3A_125] : memref<6400xi32, #tpu.memory_space<vmem>> -> memref<128xi32, #tpu.memory_space<vmem>>
      %dma_start3A_128 = arith.constant 0 : i32
      %dma_start3A_129 = tpu.memref_slice %arg3[%dma_start3A_128] : memref<100000xf32, #tpu.memory_space<hbm>> -> memref<100000xf32, #tpu.memory_space<hbm>>
      tpu.enqueue_indirect_dma source(%dma_start3A_129 : memref<100000xf32, #tpu.memory_space<hbm>>) target(%dma_start3A_126 : memref<128xf32, #tpu.memory_space<vmem>>) offsets(%dma_start3A_127 : memref<128xi32, #tpu.memory_space<vmem>>) semaphore(%arg10 : memref<!tpu.dma_semaphore, #tpu.memory_space<semaphore_mem>>)
      %dma_start3A_130 = tpu.memref_slice %arg9[%mul3A_125] : memref<6400xf32, #tpu.memory_space<vmem>> -> memref<128xf32, #tpu.memory_space<vmem>>
      %dma_start3A_131 = tpu.memref_slice %arg7[%mul3A_125] : memref<6400xi32, #tpu.memory_space<vmem>> -> memref<128xi32, #tpu.memory_space<vmem>>
      %dma_start3A_132 = arith.constant 0 : i32
      %dma_start3A_133 = tpu.memref_slice %arg4[%dma_start3A_132] : memref<100000xf32, #tpu.memory_space<hbm>> -> memref<100000xf32, #tpu.memory_space<hbm>>
      tpu.enqueue_indirect_dma source(%dma_start3A_133 : memref<100000xf32, #tpu.memory_space<hbm>>) target(%dma_start3A_130 : memref<128xf32, #tpu.memory_space<vmem>>) offsets(%dma_start3A_131 : memref<128xi32, #tpu.memory_space<vmem>>) semaphore(%arg10 : memref<!tpu.dma_semaphore, #tpu.memory_space<semaphore_mem>>)
      %mul3A_134 = arith.constant 10 : i32
      %mul3A_135 = arith.muli %scan3A_8, %mul3A_134 : i32
      %add3A_136 = arith.constant 9 : i32
      %add3A_137 = arith.addi %mul3A_135, %add3A_136 : i32
      %mul3A_138 = arith.constant 128 : i32
      %mul3A_139 = arith.muli %add3A_137, %mul3A_138 : i32
      %dma_start3A_140 = tpu.memref_slice %arg8[%mul3A_139] : memref<6400xf32, #tpu.memory_space<vmem>> -> memref<128xf32, #tpu.memory_space<vmem>>
      %dma_start3A_141 = tpu.memref_slice %arg7[%mul3A_139] : memref<6400xi32, #tpu.memory_space<vmem>> -> memref<128xi32, #tpu.memory_space<vmem>>
      %dma_start3A_142 = arith.constant 0 : i32
      %dma_start3A_143 = tpu.memref_slice %arg3[%dma_start3A_142] : memref<100000xf32, #tpu.memory_space<hbm>> -> memref<100000xf32, #tpu.memory_space<hbm>>
      tpu.enqueue_indirect_dma source(%dma_start3A_143 : memref<100000xf32, #tpu.memory_space<hbm>>) target(%dma_start3A_140 : memref<128xf32, #tpu.memory_space<vmem>>) offsets(%dma_start3A_141 : memref<128xi32, #tpu.memory_space<vmem>>) semaphore(%arg10 : memref<!tpu.dma_semaphore, #tpu.memory_space<semaphore_mem>>)
      %dma_start3A_144 = tpu.memref_slice %arg9[%mul3A_139] : memref<6400xf32, #tpu.memory_space<vmem>> -> memref<128xf32, #tpu.memory_space<vmem>>
      %dma_start3A_145 = tpu.memref_slice %arg7[%mul3A_139] : memref<6400xi32, #tpu.memory_space<vmem>> -> memref<128xi32, #tpu.memory_space<vmem>>
      %dma_start3A_146 = arith.constant 0 : i32
      %dma_start3A_147 = tpu.memref_slice %arg4[%dma_start3A_146] : memref<100000xf32, #tpu.memory_space<hbm>> -> memref<100000xf32, #tpu.memory_space<hbm>>
      tpu.enqueue_indirect_dma source(%dma_start3A_147 : memref<100000xf32, #tpu.memory_space<hbm>>) target(%dma_start3A_144 : memref<128xf32, #tpu.memory_space<vmem>>) offsets(%dma_start3A_145 : memref<128xi32, #tpu.memory_space<vmem>>) semaphore(%arg10 : memref<!tpu.dma_semaphore, #tpu.memory_space<semaphore_mem>>)
      %dma_wait3A = tpu.memref_slice %arg8[%mul3A_14] : memref<6400xf32, #tpu.memory_space<vmem>> -> memref<128xf32, #tpu.memory_space<vmem>>
      %dma_wait3A_148 = tpu.memref_slice %arg7[%mul3A_14] : memref<6400xi32, #tpu.memory_space<vmem>> -> memref<128xi32, #tpu.memory_space<vmem>>
      %dma_wait3A_149 = arith.constant 0 : i32
      %dma_wait3A_150 = tpu.memref_slice %arg3[%dma_wait3A_149] : memref<100000xf32, #tpu.memory_space<hbm>> -> memref<100000xf32, #tpu.memory_space<hbm>>
      tpu.wait_indirect_dma semaphore(%arg10 : memref<!tpu.dma_semaphore, #tpu.memory_space<semaphore_mem>>) src(%dma_wait3A_150 : memref<100000xf32, #tpu.memory_space<hbm>>) dst(%dma_wait3A : memref<128xf32, #tpu.memory_space<vmem>>)
      %dma_wait3A_151 = tpu.memref_slice %arg9[%mul3A_14] : memref<6400xf32, #tpu.memory_space<vmem>> -> memref<128xf32, #tpu.memory_space<vmem>>
      %dma_wait3A_152 = tpu.memref_slice %arg7[%mul3A_14] : memref<6400xi32, #tpu.memory_space<vmem>> -> memref<128xi32, #tpu.memory_space<vmem>>
      %dma_wait3A_153 = arith.constant 0 : i32
      %dma_wait3A_154 = tpu.memref_slice %arg4[%dma_wait3A_153] : memref<100000xf32, #tpu.memory_space<hbm>> -> memref<100000xf32, #tpu.memory_space<hbm>>
      tpu.wait_indirect_dma semaphore(%arg10 : memref<!tpu.dma_semaphore, #tpu.memory_space<semaphore_mem>>) src(%dma_wait3A_154 : memref<100000xf32, #tpu.memory_space<hbm>>) dst(%dma_wait3A_151 : memref<128xf32, #tpu.memory_space<vmem>>)
      %dma_wait3A_155 = tpu.memref_slice %arg8[%mul3A_27] : memref<6400xf32, #tpu.memory_space<vmem>> -> memref<128xf32, #tpu.memory_space<vmem>>
      %dma_wait3A_156 = tpu.memref_slice %arg7[%mul3A_27] : memref<6400xi32, #tpu.memory_space<vmem>> -> memref<128xi32, #tpu.memory_space<vmem>>
      %dma_wait3A_157 = arith.constant 0 : i32
      %dma_wait3A_158 = tpu.memref_slice %arg3[%dma_wait3A_157] : memref<100000xf32, #tpu.memory_space<hbm>> -> memref<100000xf32, #tpu.memory_space<hbm>>
      tpu.wait_indirect_dma semaphore(%arg10 : memref<!tpu.dma_semaphore, #tpu.memory_space<semaphore_mem>>) src(%dma_wait3A_158 : memref<100000xf32, #tpu.memory_space<hbm>>) dst(%dma_wait3A_155 : memref<128xf32, #tpu.memory_space<vmem>>)
      %dma_wait3A_159 = tpu.memref_slice %arg9[%mul3A_27] : memref<6400xf32, #tpu.memory_space<vmem>> -> memref<128xf32, #tpu.memory_space<vmem>>
      %dma_wait3A_160 = tpu.memref_slice %arg7[%mul3A_27] : memref<6400xi32, #tpu.memory_space<vmem>> -> memref<128xi32, #tpu.memory_space<vmem>>
      %dma_wait3A_161 = arith.constant 0 : i32
      %dma_wait3A_162 = tpu.memref_slice %arg4[%dma_wait3A_161] : memref<100000xf32, #tpu.memory_space<hbm>> -> memref<100000xf32, #tpu.memory_space<hbm>>
      tpu.wait_indirect_dma semaphore(%arg10 : memref<!tpu.dma_semaphore, #tpu.memory_space<semaphore_mem>>) src(%dma_wait3A_162 : memref<100000xf32, #tpu.memory_space<hbm>>) dst(%dma_wait3A_159 : memref<128xf32, #tpu.memory_space<vmem>>)
      %dma_wait3A_163 = tpu.memref_slice %arg8[%mul3A_41] : memref<6400xf32, #tpu.memory_space<vmem>> -> memref<128xf32, #tpu.memory_space<vmem>>
      %dma_wait3A_164 = tpu.memref_slice %arg7[%mul3A_41] : memref<6400xi32, #tpu.memory_space<vmem>> -> memref<128xi32, #tpu.memory_space<vmem>>
      %dma_wait3A_165 = arith.constant 0 : i32
      %dma_wait3A_166 = tpu.memref_slice %arg3[%dma_wait3A_165] : memref<100000xf32, #tpu.memory_space<hbm>> -> memref<100000xf32, #tpu.memory_space<hbm>>
      tpu.wait_indirect_dma semaphore(%arg10 : memref<!tpu.dma_semaphore, #tpu.memory_space<semaphore_mem>>) src(%dma_wait3A_166 : memref<100000xf32, #tpu.memory_space<hbm>>) dst(%dma_wait3A_163 : memref<128xf32, #tpu.memory_space<vmem>>)
      %dma_wait3A_167 = tpu.memref_slice %arg9[%mul3A_41] : memref<6400xf32, #tpu.memory_space<vmem>> -> memref<128xf32, #tpu.memory_space<vmem>>
      %dma_wait3A_168 = tpu.memref_slice %arg7[%mul3A_41] : memref<6400xi32, #tpu.memory_space<vmem>> -> memref<128xi32, #tpu.memory_space<vmem>>
      %dma_wait3A_169 = arith.constant 0 : i32
      %dma_wait3A_170 = tpu.memref_slice %arg4[%dma_wait3A_169] : memref<100000xf32, #tpu.memory_space<hbm>> -> memref<100000xf32, #tpu.memory_space<hbm>>
      tpu.wait_indirect_dma semaphore(%arg10 : memref<!tpu.dma_semaphore, #tpu.memory_space<semaphore_mem>>) src(%dma_wait3A_170 : memref<100000xf32, #tpu.memory_space<hbm>>) dst(%dma_wait3A_167 : memref<128xf32, #tpu.memory_space<vmem>>)
      %dma_wait3A_171 = tpu.memref_slice %arg8[%mul3A_55] : memref<6400xf32, #tpu.memory_space<vmem>> -> memref<128xf32, #tpu.memory_space<vmem>>
      %dma_wait3A_172 = tpu.memref_slice %arg7[%mul3A_55] : memref<6400xi32, #tpu.memory_space<vmem>> -> memref<128xi32, #tpu.memory_space<vmem>>
      %dma_wait3A_173 = arith.constant 0 : i32
      %dma_wait3A_174 = tpu.memref_slice %arg3[%dma_wait3A_173] : memref<100000xf32, #tpu.memory_space<hbm>> -> memref<100000xf32, #tpu.memory_space<hbm>>
      tpu.wait_indirect_dma semaphore(%arg10 : memref<!tpu.dma_semaphore, #tpu.memory_space<semaphore_mem>>) src(%dma_wait3A_174 : memref<100000xf32, #tpu.memory_space<hbm>>) dst(%dma_wait3A_171 : memref<128xf32, #tpu.memory_space<vmem>>)
      %dma_wait3A_175 = tpu.memref_slice %arg9[%mul3A_55] : memref<6400xf32, #tpu.memory_space<vmem>> -> memref<128xf32, #tpu.memory_space<vmem>>
      %dma_wait3A_176 = tpu.memref_slice %arg7[%mul3A_55] : memref<6400xi32, #tpu.memory_space<vmem>> -> memref<128xi32, #tpu.memory_space<vmem>>
      %dma_wait3A_177 = arith.constant 0 : i32
      %dma_wait3A_178 = tpu.memref_slice %arg4[%dma_wait3A_177] : memref<100000xf32, #tpu.memory_space<hbm>> -> memref<100000xf32, #tpu.memory_space<hbm>>
      tpu.wait_indirect_dma semaphore(%arg10 : memref<!tpu.dma_semaphore, #tpu.memory_space<semaphore_mem>>) src(%dma_wait3A_178 : memref<100000xf32, #tpu.memory_space<hbm>>) dst(%dma_wait3A_175 : memref<128xf32, #tpu.memory_space<vmem>>)
      %dma_wait3A_179 = tpu.memref_slice %arg8[%mul3A_69] : memref<6400xf32, #tpu.memory_space<vmem>> -> memref<128xf32, #tpu.memory_space<vmem>>
      %dma_wait3A_180 = tpu.memref_slice %arg7[%mul3A_69] : memref<6400xi32, #tpu.memory_space<vmem>> -> memref<128xi32, #tpu.memory_space<vmem>>
      %dma_wait3A_181 = arith.constant 0 : i32
      %dma_wait3A_182 = tpu.memref_slice %arg3[%dma_wait3A_181] : memref<100000xf32, #tpu.memory_space<hbm>> -> memref<100000xf32, #tpu.memory_space<hbm>>
      tpu.wait_indirect_dma semaphore(%arg10 : memref<!tpu.dma_semaphore, #tpu.memory_space<semaphore_mem>>) src(%dma_wait3A_182 : memref<100000xf32, #tpu.memory_space<hbm>>) dst(%dma_wait3A_179 : memref<128xf32, #tpu.memory_space<vmem>>)
      %dma_wait3A_183 = tpu.memref_slice %arg9[%mul3A_69] : memref<6400xf32, #tpu.memory_space<vmem>> -> memref<128xf32, #tpu.memory_space<vmem>>
      %dma_wait3A_184 = tpu.memref_slice %arg7[%mul3A_69] : memref<6400xi32, #tpu.memory_space<vmem>> -> memref<128xi32, #tpu.memory_space<vmem>>
      %dma_wait3A_185 = arith.constant 0 : i32
      %dma_wait3A_186 = tpu.memref_slice %arg4[%dma_wait3A_185] : memref<100000xf32, #tpu.memory_space<hbm>> -> memref<100000xf32, #tpu.memory_space<hbm>>
      tpu.wait_indirect_dma semaphore(%arg10 : memref<!tpu.dma_semaphore, #tpu.memory_space<semaphore_mem>>) src(%dma_wait3A_186 : memref<100000xf32, #tpu.memory_space<hbm>>) dst(%dma_wait3A_183 : memref<128xf32, #tpu.memory_space<vmem>>)
      %dma_wait3A_187 = tpu.memref_slice %arg8[%mul3A_83] : memref<6400xf32, #tpu.memory_space<vmem>> -> memref<128xf32, #tpu.memory_space<vmem>>
      %dma_wait3A_188 = tpu.memref_slice %arg7[%mul3A_83] : memref<6400xi32, #tpu.memory_space<vmem>> -> memref<128xi32, #tpu.memory_space<vmem>>
      %dma_wait3A_189 = arith.constant 0 : i32
      %dma_wait3A_190 = tpu.memref_slice %arg3[%dma_wait3A_189] : memref<100000xf32, #tpu.memory_space<hbm>> -> memref<100000xf32, #tpu.memory_space<hbm>>
      tpu.wait_indirect_dma semaphore(%arg10 : memref<!tpu.dma_semaphore, #tpu.memory_space<semaphore_mem>>) src(%dma_wait3A_190 : memref<100000xf32, #tpu.memory_space<hbm>>) dst(%dma_wait3A_187 : memref<128xf32, #tpu.memory_space<vmem>>)
      %dma_wait3A_191 = tpu.memref_slice %arg9[%mul3A_83] : memref<6400xf32, #tpu.memory_space<vmem>> -> memref<128xf32, #tpu.memory_space<vmem>>
      %dma_wait3A_192 = tpu.memref_slice %arg7[%mul3A_83] : memref<6400xi32, #tpu.memory_space<vmem>> -> memref<128xi32, #tpu.memory_space<vmem>>
      %dma_wait3A_193 = arith.constant 0 : i32
      %dma_wait3A_194 = tpu.memref_slice %arg4[%dma_wait3A_193] : memref<100000xf32, #tpu.memory_space<hbm>> -> memref<100000xf32, #tpu.memory_space<hbm>>
      tpu.wait_indirect_dma semaphore(%arg10 : memref<!tpu.dma_semaphore, #tpu.memory_space<semaphore_mem>>) src(%dma_wait3A_194 : memref<100000xf32, #tpu.memory_space<hbm>>) dst(%dma_wait3A_191 : memref<128xf32, #tpu.memory_space<vmem>>)
      %dma_wait3A_195 = tpu.memref_slice %arg8[%mul3A_97] : memref<6400xf32, #tpu.memory_space<vmem>> -> memref<128xf32, #tpu.memory_space<vmem>>
      %dma_wait3A_196 = tpu.memref_slice %arg7[%mul3A_97] : memref<6400xi32, #tpu.memory_space<vmem>> -> memref<128xi32, #tpu.memory_space<vmem>>
      %dma_wait3A_197 = arith.constant 0 : i32
      %dma_wait3A_198 = tpu.memref_slice %arg3[%dma_wait3A_197] : memref<100000xf32, #tpu.memory_space<hbm>> -> memref<100000xf32, #tpu.memory_space<hbm>>
      tpu.wait_indirect_dma semaphore(%arg10 : memref<!tpu.dma_semaphore, #tpu.memory_space<semaphore_mem>>) src(%dma_wait3A_198 : memref<100000xf32, #tpu.memory_space<hbm>>) dst(%dma_wait3A_195 : memref<128xf32, #tpu.memory_space<vmem>>)
      %dma_wait3A_199 = tpu.memref_slice %arg9[%mul3A_97] : memref<6400xf32, #tpu.memory_space<vmem>> -> memref<128xf32, #tpu.memory_space<vmem>>
      %dma_wait3A_200 = tpu.memref_slice %arg7[%mul3A_97] : memref<6400xi32, #tpu.memory_space<vmem>> -> memref<128xi32, #tpu.memory_space<vmem>>
      %dma_wait3A_201 = arith.constant 0 : i32
      %dma_wait3A_202 = tpu.memref_slice %arg4[%dma_wait3A_201] : memref<100000xf32, #tpu.memory_space<hbm>> -> memref<100000xf32, #tpu.memory_space<hbm>>
      tpu.wait_indirect_dma semaphore(%arg10 : memref<!tpu.dma_semaphore, #tpu.memory_space<semaphore_mem>>) src(%dma_wait3A_202 : memref<100000xf32, #tpu.memory_space<hbm>>) dst(%dma_wait3A_199 : memref<128xf32, #tpu.memory_space<vmem>>)
      %dma_wait3A_203 = tpu.memref_slice %arg8[%mul3A_111] : memref<6400xf32, #tpu.memory_space<vmem>> -> memref<128xf32, #tpu.memory_space<vmem>>
      %dma_wait3A_204 = tpu.memref_slice %arg7[%mul3A_111] : memref<6400xi32, #tpu.memory_space<vmem>> -> memref<128xi32, #tpu.memory_space<vmem>>
      %dma_wait3A_205 = arith.constant 0 : i32
      %dma_wait3A_206 = tpu.memref_slice %arg3[%dma_wait3A_205] : memref<100000xf32, #tpu.memory_space<hbm>> -> memref<100000xf32, #tpu.memory_space<hbm>>
      tpu.wait_indirect_dma semaphore(%arg10 : memref<!tpu.dma_semaphore, #tpu.memory_space<semaphore_mem>>) src(%dma_wait3A_206 : memref<100000xf32, #tpu.memory_space<hbm>>) dst(%dma_wait3A_203 : memref<128xf32, #tpu.memory_space<vmem>>)
      %dma_wait3A_207 = tpu.memref_slice %arg9[%mul3A_111] : memref<6400xf32, #tpu.memory_space<vmem>> -> memref<128xf32, #tpu.memory_space<vmem>>
      %dma_wait3A_208 = tpu.memref_slice %arg7[%mul3A_111] : memref<6400xi32, #tpu.memory_space<vmem>> -> memref<128xi32, #tpu.memory_space<vmem>>
      %dma_wait3A_209 = arith.constant 0 : i32
      %dma_wait3A_210 = tpu.memref_slice %arg4[%dma_wait3A_209] : memref<100000xf32, #tpu.memory_space<hbm>> -> memref<100000xf32, #tpu.memory_space<hbm>>
      tpu.wait_indirect_dma semaphore(%arg10 : memref<!tpu.dma_semaphore, #tpu.memory_space<semaphore_mem>>) src(%dma_wait3A_210 : memref<100000xf32, #tpu.memory_space<hbm>>) dst(%dma_wait3A_207 : memref<128xf32, #tpu.memory_space<vmem>>)
      %dma_wait3A_211 = tpu.memref_slice %arg8[%mul3A_125] : memref<6400xf32, #tpu.memory_space<vmem>> -> memref<128xf32, #tpu.memory_space<vmem>>
      %dma_wait3A_212 = tpu.memref_slice %arg7[%mul3A_125] : memref<6400xi32, #tpu.memory_space<vmem>> -> memref<128xi32, #tpu.memory_space<vmem>>
      %dma_wait3A_213 = arith.constant 0 : i32
      %dma_wait3A_214 = tpu.memref_slice %arg3[%dma_wait3A_213] : memref<100000xf32, #tpu.memory_space<hbm>> -> memref<100000xf32, #tpu.memory_space<hbm>>
      tpu.wait_indirect_dma semaphore(%arg10 : memref<!tpu.dma_semaphore, #tpu.memory_space<semaphore_mem>>) src(%dma_wait3A_214 : memref<100000xf32, #tpu.memory_space<hbm>>) dst(%dma_wait3A_211 : memref<128xf32, #tpu.memory_space<vmem>>)
      %dma_wait3A_215 = tpu.memref_slice %arg9[%mul3A_125] : memref<6400xf32, #tpu.memory_space<vmem>> -> memref<128xf32, #tpu.memory_space<vmem>>
      %dma_wait3A_216 = tpu.memref_slice %arg7[%mul3A_125] : memref<6400xi32, #tpu.memory_space<vmem>> -> memref<128xi32, #tpu.memory_space<vmem>>
      %dma_wait3A_217 = arith.constant 0 : i32
      %dma_wait3A_218 = tpu.memref_slice %arg4[%dma_wait3A_217] : memref<100000xf32, #tpu.memory_space<hbm>> -> memref<100000xf32, #tpu.memory_space<hbm>>
      tpu.wait_indirect_dma semaphore(%arg10 : memref<!tpu.dma_semaphore, #tpu.memory_space<semaphore_mem>>) src(%dma_wait3A_218 : memref<100000xf32, #tpu.memory_space<hbm>>) dst(%dma_wait3A_215 : memref<128xf32, #tpu.memory_space<vmem>>)
      %dma_wait3A_219 = tpu.memref_slice %arg8[%mul3A_139] : memref<6400xf32, #tpu.memory_space<vmem>> -> memref<128xf32, #tpu.memory_space<vmem>>
      %dma_wait3A_220 = tpu.memref_slice %arg7[%mul3A_139] : memref<6400xi32, #tpu.memory_space<vmem>> -> memref<128xi32, #tpu.memory_space<vmem>>
      %dma_wait3A_221 = arith.constant 0 : i32
      %dma_wait3A_222 = tpu.memref_slice %arg3[%dma_wait3A_221] : memref<100000xf32, #tpu.memory_space<hbm>> -> memref<100000xf32, #tpu.memory_space<hbm>>
      tpu.wait_indirect_dma semaphore(%arg10 : memref<!tpu.dma_semaphore, #tpu.memory_space<semaphore_mem>>) src(%dma_wait3A_222 : memref<100000xf32, #tpu.memory_space<hbm>>) dst(%dma_wait3A_219 : memref<128xf32, #tpu.memory_space<vmem>>)
      %dma_wait3A_223 = tpu.memref_slice %arg9[%mul3A_139] : memref<6400xf32, #tpu.memory_space<vmem>> -> memref<128xf32, #tpu.memory_space<vmem>>
      %dma_wait3A_224 = tpu.memref_slice %arg7[%mul3A_139] : memref<6400xi32, #tpu.memory_space<vmem>> -> memref<128xi32, #tpu.memory_space<vmem>>
      %dma_wait3A_225 = arith.constant 0 : i32
      %dma_wait3A_226 = tpu.memref_slice %arg4[%dma_wait3A_225] : memref<100000xf32, #tpu.memory_space<hbm>> -> memref<100000xf32, #tpu.memory_space<hbm>>
      tpu.wait_indirect_dma semaphore(%arg10 : memref<!tpu.dma_semaphore, #tpu.memory_space<semaphore_mem>>) src(%dma_wait3A_226 : memref<100000xf32, #tpu.memory_space<hbm>>) dst(%dma_wait3A_223 : memref<128xf32, #tpu.memory_space<vmem>>)
    }
    %scan3A_7 = arith.constant 5 : i32
    "tpu.region"() ({
      %run_scoped3A = tpu.sem_alloc : memref<!tpu.dma_semaphore, #tpu.memory_space<semaphore_mem>>
      %dma_start3A = tpu.memref_slice %arg5[%mul3A_2] : memref<204800xf32, #tpu.memory_space<hbm>> -> memref<6400xf32, #tpu.memory_space<hbm>>
      %dma_start3A_8 = tpu.memref_slice %arg5[%mul3A_2] : memref<204800xf32, #tpu.memory_space<hbm>> -> memref<6400xf32, #tpu.memory_space<hbm>>
      tpu.enqueue_dma source(%arg8 : memref<6400xf32, #tpu.memory_space<vmem>>) target(%dma_start3A_8 : memref<6400xf32, #tpu.memory_space<hbm>>) target_semaphore(%run_scoped3A : memref<!tpu.dma_semaphore, #tpu.memory_space<semaphore_mem>>)
      %dma_wait3A = tpu.memref_slice %arg5[%mul3A_2] : memref<204800xf32, #tpu.memory_space<hbm>> -> memref<6400xf32, #tpu.memory_space<hbm>>
      %dma_wait3A_9 = tpu.memref_slice %arg5[%mul3A_2] : memref<204800xf32, #tpu.memory_space<hbm>> -> memref<6400xf32, #tpu.memory_space<hbm>>
      tpu.wait_dma2 semaphore(%run_scoped3A : memref<!tpu.dma_semaphore, #tpu.memory_space<semaphore_mem>>) src(%arg8 : memref<6400xf32, #tpu.memory_space<vmem>>) dst(%dma_wait3A_9 : memref<6400xf32, #tpu.memory_space<hbm>>)
      tpu.yield
    }) : () -> ()
    "tpu.region"() ({
      %run_scoped3A = tpu.sem_alloc : memref<!tpu.dma_semaphore, #tpu.memory_space<semaphore_mem>>
      %dma_start3A = tpu.memref_slice %arg6[%mul3A_2] : memref<204800xf32, #tpu.memory_space<hbm>> -> memref<6400xf32, #tpu.memory_space<hbm>>
      %dma_start3A_8 = tpu.memref_slice %arg6[%mul3A_2] : memref<204800xf32, #tpu.memory_space<hbm>> -> memref<6400xf32, #tpu.memory_space<hbm>>
      tpu.enqueue_dma source(%arg9 : memref<6400xf32, #tpu.memory_space<vmem>>) target(%dma_start3A_8 : memref<6400xf32, #tpu.memory_space<hbm>>) target_semaphore(%run_scoped3A : memref<!tpu.dma_semaphore, #tpu.memory_space<semaphore_mem>>)
      %dma_wait3A = tpu.memref_slice %arg6[%mul3A_2] : memref<204800xf32, #tpu.memory_space<hbm>> -> memref<6400xf32, #tpu.memory_space<hbm>>
      %dma_wait3A_9 = tpu.memref_slice %arg6[%mul3A_2] : memref<204800xf32, #tpu.memory_space<hbm>> -> memref<6400xf32, #tpu.memory_space<hbm>>
      tpu.wait_dma2 semaphore(%run_scoped3A : memref<!tpu.dma_semaphore, #tpu.memory_space<semaphore_mem>>) src(%arg9 : memref<6400xf32, #tpu.memory_space<vmem>>) dst(%dma_wait3A_9 : memref<6400xf32, #tpu.memory_space<hbm>>)
      tpu.yield
    }) : () -> ()
    return
  }
}

#map = affine_map<(d0, d1) -> (0)>
module attributes {stable_mosaic.version = 14 : i64} {
  func.func @body(%arg0: i32, %arg1: i32, %arg2: memref<204800xi32, #tpu.memory_space<hbm>>, %arg3: memref<100000xf32, #tpu.memory_space<hbm>>, %arg4: memref<204800xf32, #tpu.memory_space<hbm>>, %arg5: memref<6400xi32, #tpu.memory_space<vmem>>, %arg6: memref<6400xf32, #tpu.memory_space<vmem>>, %arg7: memref<!tpu.dma_semaphore, #tpu.memory_space<semaphore_mem>>) attributes {dimension_semantics = [#tpu.dimension_semantics<core_parallel>, #tpu.dimension_semantics<subcore_parallel>], iteration_bounds = array<i64: 2, 16>, scalar_prefetch = 0 : i64, scratch_operands = 3 : i64, tpu.core_type = #tpu.core_type<sc_vector_subcore>, window_params = [{transform_indices = #map}, {transform_indices = #map}, {transform_indices = #map}]} {
    %mul3A = arith.constant 2 : i32
    %mul3A_0 = arith.muli %arg1, %mul3A : i32
    %add3A = arith.addi %mul3A_0, %arg0 : i32
    %mul3A_1 = arith.constant 6400 : i32
    %mul3A_2 = arith.muli %add3A, %mul3A_1 : i32
    "tpu.region"() ({
      %run_scoped3A = tpu.sem_alloc : memref<!tpu.dma_semaphore, #tpu.memory_space<semaphore_mem>>
      %dma_start3A = tpu.memref_slice %arg2[%mul3A_2] : memref<204800xi32, #tpu.memory_space<hbm>> -> memref<6400xi32, #tpu.memory_space<hbm>>
      %dma_start3A_8 = tpu.memref_slice %arg2[%mul3A_2] : memref<204800xi32, #tpu.memory_space<hbm>> -> memref<6400xi32, #tpu.memory_space<hbm>>
      tpu.enqueue_dma source(%dma_start3A_8 : memref<6400xi32, #tpu.memory_space<hbm>>) target(%arg5 : memref<6400xi32, #tpu.memory_space<vmem>>) target_semaphore(%run_scoped3A : memref<!tpu.dma_semaphore, #tpu.memory_space<semaphore_mem>>)
      %dma_wait3A = tpu.memref_slice %arg2[%mul3A_2] : memref<204800xi32, #tpu.memory_space<hbm>> -> memref<6400xi32, #tpu.memory_space<hbm>>
      %dma_wait3A_9 = tpu.memref_slice %arg2[%mul3A_2] : memref<204800xi32, #tpu.memory_space<hbm>> -> memref<6400xi32, #tpu.memory_space<hbm>>
      tpu.wait_dma2 semaphore(%run_scoped3A : memref<!tpu.dma_semaphore, #tpu.memory_space<semaphore_mem>>) src(%dma_wait3A_9 : memref<6400xi32, #tpu.memory_space<hbm>>) dst(%arg5 : memref<6400xi32, #tpu.memory_space<vmem>>)
      tpu.yield
    }) : () -> ()
    %scan3A = arith.constant 0 : i32
    %scan3A_3 = arith.constant 0 : i32
    %scan3A_4 = arith.constant 5 : i32
    %scan3A_5 = arith.addi %scan3A_3, %scan3A_4 : i32
    %scan3A_6 = arith.constant 1 : i32
    scf.for %scan3A_8 = %scan3A_3 to %scan3A_5 step %scan3A_6  : i32 {
      %mul3A_9 = arith.constant 10 : i32
      %mul3A_10 = arith.muli %scan3A_8, %mul3A_9 : i32
      %add3A_11 = arith.constant 0 : i32
      %add3A_12 = arith.addi %mul3A_10, %add3A_11 : i32
      %mul3A_13 = arith.constant 128 : i32
      %mul3A_14 = arith.muli %add3A_12, %mul3A_13 : i32
      %dma_start3A = tpu.memref_slice %arg6[%mul3A_14] : memref<6400xf32, #tpu.memory_space<vmem>> -> memref<128xf32, #tpu.memory_space<vmem>>
      %dma_start3A_15 = tpu.memref_slice %arg5[%mul3A_14] : memref<6400xi32, #tpu.memory_space<vmem>> -> memref<128xi32, #tpu.memory_space<vmem>>
      %dma_start3A_16 = arith.constant 0 : i32
      %dma_start3A_17 = tpu.memref_slice %arg3[%dma_start3A_16] : memref<100000xf32, #tpu.memory_space<hbm>> -> memref<100000xf32, #tpu.memory_space<hbm>>
      tpu.enqueue_indirect_dma source(%dma_start3A_17 : memref<100000xf32, #tpu.memory_space<hbm>>) target(%dma_start3A : memref<128xf32, #tpu.memory_space<vmem>>) offsets(%dma_start3A_15 : memref<128xi32, #tpu.memory_space<vmem>>) semaphore(%arg7 : memref<!tpu.dma_semaphore, #tpu.memory_space<semaphore_mem>>)
      %mul3A_18 = arith.constant 10 : i32
      %mul3A_19 = arith.muli %scan3A_8, %mul3A_18 : i32
      %add3A_20 = arith.constant 1 : i32
      %add3A_21 = arith.addi %mul3A_19, %add3A_20 : i32
      %mul3A_22 = arith.constant 128 : i32
      %mul3A_23 = arith.muli %add3A_21, %mul3A_22 : i32
      %dma_start3A_24 = tpu.memref_slice %arg6[%mul3A_23] : memref<6400xf32, #tpu.memory_space<vmem>> -> memref<128xf32, #tpu.memory_space<vmem>>
      %dma_start3A_25 = tpu.memref_slice %arg5[%mul3A_23] : memref<6400xi32, #tpu.memory_space<vmem>> -> memref<128xi32, #tpu.memory_space<vmem>>
      %dma_start3A_26 = arith.constant 0 : i32
      %dma_start3A_27 = tpu.memref_slice %arg3[%dma_start3A_26] : memref<100000xf32, #tpu.memory_space<hbm>> -> memref<100000xf32, #tpu.memory_space<hbm>>
      tpu.enqueue_indirect_dma source(%dma_start3A_27 : memref<100000xf32, #tpu.memory_space<hbm>>) target(%dma_start3A_24 : memref<128xf32, #tpu.memory_space<vmem>>) offsets(%dma_start3A_25 : memref<128xi32, #tpu.memory_space<vmem>>) semaphore(%arg7 : memref<!tpu.dma_semaphore, #tpu.memory_space<semaphore_mem>>)
      %mul3A_28 = arith.constant 10 : i32
      %mul3A_29 = arith.muli %scan3A_8, %mul3A_28 : i32
      %add3A_30 = arith.constant 2 : i32
      %add3A_31 = arith.addi %mul3A_29, %add3A_30 : i32
      %mul3A_32 = arith.constant 128 : i32
      %mul3A_33 = arith.muli %add3A_31, %mul3A_32 : i32
      %dma_start3A_34 = tpu.memref_slice %arg6[%mul3A_33] : memref<6400xf32, #tpu.memory_space<vmem>> -> memref<128xf32, #tpu.memory_space<vmem>>
      %dma_start3A_35 = tpu.memref_slice %arg5[%mul3A_33] : memref<6400xi32, #tpu.memory_space<vmem>> -> memref<128xi32, #tpu.memory_space<vmem>>
      %dma_start3A_36 = arith.constant 0 : i32
      %dma_start3A_37 = tpu.memref_slice %arg3[%dma_start3A_36] : memref<100000xf32, #tpu.memory_space<hbm>> -> memref<100000xf32, #tpu.memory_space<hbm>>
      tpu.enqueue_indirect_dma source(%dma_start3A_37 : memref<100000xf32, #tpu.memory_space<hbm>>) target(%dma_start3A_34 : memref<128xf32, #tpu.memory_space<vmem>>) offsets(%dma_start3A_35 : memref<128xi32, #tpu.memory_space<vmem>>) semaphore(%arg7 : memref<!tpu.dma_semaphore, #tpu.memory_space<semaphore_mem>>)
      %mul3A_38 = arith.constant 10 : i32
      %mul3A_39 = arith.muli %scan3A_8, %mul3A_38 : i32
      %add3A_40 = arith.constant 3 : i32
      %add3A_41 = arith.addi %mul3A_39, %add3A_40 : i32
      %mul3A_42 = arith.constant 128 : i32
      %mul3A_43 = arith.muli %add3A_41, %mul3A_42 : i32
      %dma_start3A_44 = tpu.memref_slice %arg6[%mul3A_43] : memref<6400xf32, #tpu.memory_space<vmem>> -> memref<128xf32, #tpu.memory_space<vmem>>
      %dma_start3A_45 = tpu.memref_slice %arg5[%mul3A_43] : memref<6400xi32, #tpu.memory_space<vmem>> -> memref<128xi32, #tpu.memory_space<vmem>>
      %dma_start3A_46 = arith.constant 0 : i32
      %dma_start3A_47 = tpu.memref_slice %arg3[%dma_start3A_46] : memref<100000xf32, #tpu.memory_space<hbm>> -> memref<100000xf32, #tpu.memory_space<hbm>>
      tpu.enqueue_indirect_dma source(%dma_start3A_47 : memref<100000xf32, #tpu.memory_space<hbm>>) target(%dma_start3A_44 : memref<128xf32, #tpu.memory_space<vmem>>) offsets(%dma_start3A_45 : memref<128xi32, #tpu.memory_space<vmem>>) semaphore(%arg7 : memref<!tpu.dma_semaphore, #tpu.memory_space<semaphore_mem>>)
      %mul3A_48 = arith.constant 10 : i32
      %mul3A_49 = arith.muli %scan3A_8, %mul3A_48 : i32
      %add3A_50 = arith.constant 4 : i32
      %add3A_51 = arith.addi %mul3A_49, %add3A_50 : i32
      %mul3A_52 = arith.constant 128 : i32
      %mul3A_53 = arith.muli %add3A_51, %mul3A_52 : i32
      %dma_start3A_54 = tpu.memref_slice %arg6[%mul3A_53] : memref<6400xf32, #tpu.memory_space<vmem>> -> memref<128xf32, #tpu.memory_space<vmem>>
      %dma_start3A_55 = tpu.memref_slice %arg5[%mul3A_53] : memref<6400xi32, #tpu.memory_space<vmem>> -> memref<128xi32, #tpu.memory_space<vmem>>
      %dma_start3A_56 = arith.constant 0 : i32
      %dma_start3A_57 = tpu.memref_slice %arg3[%dma_start3A_56] : memref<100000xf32, #tpu.memory_space<hbm>> -> memref<100000xf32, #tpu.memory_space<hbm>>
      tpu.enqueue_indirect_dma source(%dma_start3A_57 : memref<100000xf32, #tpu.memory_space<hbm>>) target(%dma_start3A_54 : memref<128xf32, #tpu.memory_space<vmem>>) offsets(%dma_start3A_55 : memref<128xi32, #tpu.memory_space<vmem>>) semaphore(%arg7 : memref<!tpu.dma_semaphore, #tpu.memory_space<semaphore_mem>>)
      %mul3A_58 = arith.constant 10 : i32
      %mul3A_59 = arith.muli %scan3A_8, %mul3A_58 : i32
      %add3A_60 = arith.constant 5 : i32
      %add3A_61 = arith.addi %mul3A_59, %add3A_60 : i32
      %mul3A_62 = arith.constant 128 : i32
      %mul3A_63 = arith.muli %add3A_61, %mul3A_62 : i32
      %dma_start3A_64 = tpu.memref_slice %arg6[%mul3A_63] : memref<6400xf32, #tpu.memory_space<vmem>> -> memref<128xf32, #tpu.memory_space<vmem>>
      %dma_start3A_65 = tpu.memref_slice %arg5[%mul3A_63] : memref<6400xi32, #tpu.memory_space<vmem>> -> memref<128xi32, #tpu.memory_space<vmem>>
      %dma_start3A_66 = arith.constant 0 : i32
      %dma_start3A_67 = tpu.memref_slice %arg3[%dma_start3A_66] : memref<100000xf32, #tpu.memory_space<hbm>> -> memref<100000xf32, #tpu.memory_space<hbm>>
      tpu.enqueue_indirect_dma source(%dma_start3A_67 : memref<100000xf32, #tpu.memory_space<hbm>>) target(%dma_start3A_64 : memref<128xf32, #tpu.memory_space<vmem>>) offsets(%dma_start3A_65 : memref<128xi32, #tpu.memory_space<vmem>>) semaphore(%arg7 : memref<!tpu.dma_semaphore, #tpu.memory_space<semaphore_mem>>)
      %mul3A_68 = arith.constant 10 : i32
      %mul3A_69 = arith.muli %scan3A_8, %mul3A_68 : i32
      %add3A_70 = arith.constant 6 : i32
      %add3A_71 = arith.addi %mul3A_69, %add3A_70 : i32
      %mul3A_72 = arith.constant 128 : i32
      %mul3A_73 = arith.muli %add3A_71, %mul3A_72 : i32
      %dma_start3A_74 = tpu.memref_slice %arg6[%mul3A_73] : memref<6400xf32, #tpu.memory_space<vmem>> -> memref<128xf32, #tpu.memory_space<vmem>>
      %dma_start3A_75 = tpu.memref_slice %arg5[%mul3A_73] : memref<6400xi32, #tpu.memory_space<vmem>> -> memref<128xi32, #tpu.memory_space<vmem>>
      %dma_start3A_76 = arith.constant 0 : i32
      %dma_start3A_77 = tpu.memref_slice %arg3[%dma_start3A_76] : memref<100000xf32, #tpu.memory_space<hbm>> -> memref<100000xf32, #tpu.memory_space<hbm>>
      tpu.enqueue_indirect_dma source(%dma_start3A_77 : memref<100000xf32, #tpu.memory_space<hbm>>) target(%dma_start3A_74 : memref<128xf32, #tpu.memory_space<vmem>>) offsets(%dma_start3A_75 : memref<128xi32, #tpu.memory_space<vmem>>) semaphore(%arg7 : memref<!tpu.dma_semaphore, #tpu.memory_space<semaphore_mem>>)
      %mul3A_78 = arith.constant 10 : i32
      %mul3A_79 = arith.muli %scan3A_8, %mul3A_78 : i32
      %add3A_80 = arith.constant 7 : i32
      %add3A_81 = arith.addi %mul3A_79, %add3A_80 : i32
      %mul3A_82 = arith.constant 128 : i32
      %mul3A_83 = arith.muli %add3A_81, %mul3A_82 : i32
      %dma_start3A_84 = tpu.memref_slice %arg6[%mul3A_83] : memref<6400xf32, #tpu.memory_space<vmem>> -> memref<128xf32, #tpu.memory_space<vmem>>
      %dma_start3A_85 = tpu.memref_slice %arg5[%mul3A_83] : memref<6400xi32, #tpu.memory_space<vmem>> -> memref<128xi32, #tpu.memory_space<vmem>>
      %dma_start3A_86 = arith.constant 0 : i32
      %dma_start3A_87 = tpu.memref_slice %arg3[%dma_start3A_86] : memref<100000xf32, #tpu.memory_space<hbm>> -> memref<100000xf32, #tpu.memory_space<hbm>>
      tpu.enqueue_indirect_dma source(%dma_start3A_87 : memref<100000xf32, #tpu.memory_space<hbm>>) target(%dma_start3A_84 : memref<128xf32, #tpu.memory_space<vmem>>) offsets(%dma_start3A_85 : memref<128xi32, #tpu.memory_space<vmem>>) semaphore(%arg7 : memref<!tpu.dma_semaphore, #tpu.memory_space<semaphore_mem>>)
      %mul3A_88 = arith.constant 10 : i32
      %mul3A_89 = arith.muli %scan3A_8, %mul3A_88 : i32
      %add3A_90 = arith.constant 8 : i32
      %add3A_91 = arith.addi %mul3A_89, %add3A_90 : i32
      %mul3A_92 = arith.constant 128 : i32
      %mul3A_93 = arith.muli %add3A_91, %mul3A_92 : i32
      %dma_start3A_94 = tpu.memref_slice %arg6[%mul3A_93] : memref<6400xf32, #tpu.memory_space<vmem>> -> memref<128xf32, #tpu.memory_space<vmem>>
      %dma_start3A_95 = tpu.memref_slice %arg5[%mul3A_93] : memref<6400xi32, #tpu.memory_space<vmem>> -> memref<128xi32, #tpu.memory_space<vmem>>
      %dma_start3A_96 = arith.constant 0 : i32
      %dma_start3A_97 = tpu.memref_slice %arg3[%dma_start3A_96] : memref<100000xf32, #tpu.memory_space<hbm>> -> memref<100000xf32, #tpu.memory_space<hbm>>
      tpu.enqueue_indirect_dma source(%dma_start3A_97 : memref<100000xf32, #tpu.memory_space<hbm>>) target(%dma_start3A_94 : memref<128xf32, #tpu.memory_space<vmem>>) offsets(%dma_start3A_95 : memref<128xi32, #tpu.memory_space<vmem>>) semaphore(%arg7 : memref<!tpu.dma_semaphore, #tpu.memory_space<semaphore_mem>>)
      %mul3A_98 = arith.constant 10 : i32
      %mul3A_99 = arith.muli %scan3A_8, %mul3A_98 : i32
      %add3A_100 = arith.constant 9 : i32
      %add3A_101 = arith.addi %mul3A_99, %add3A_100 : i32
      %mul3A_102 = arith.constant 128 : i32
      %mul3A_103 = arith.muli %add3A_101, %mul3A_102 : i32
      %dma_start3A_104 = tpu.memref_slice %arg6[%mul3A_103] : memref<6400xf32, #tpu.memory_space<vmem>> -> memref<128xf32, #tpu.memory_space<vmem>>
      %dma_start3A_105 = tpu.memref_slice %arg5[%mul3A_103] : memref<6400xi32, #tpu.memory_space<vmem>> -> memref<128xi32, #tpu.memory_space<vmem>>
      %dma_start3A_106 = arith.constant 0 : i32
      %dma_start3A_107 = tpu.memref_slice %arg3[%dma_start3A_106] : memref<100000xf32, #tpu.memory_space<hbm>> -> memref<100000xf32, #tpu.memory_space<hbm>>
      tpu.enqueue_indirect_dma source(%dma_start3A_107 : memref<100000xf32, #tpu.memory_space<hbm>>) target(%dma_start3A_104 : memref<128xf32, #tpu.memory_space<vmem>>) offsets(%dma_start3A_105 : memref<128xi32, #tpu.memory_space<vmem>>) semaphore(%arg7 : memref<!tpu.dma_semaphore, #tpu.memory_space<semaphore_mem>>)
      %dma_wait3A = tpu.memref_slice %arg6[%mul3A_14] : memref<6400xf32, #tpu.memory_space<vmem>> -> memref<128xf32, #tpu.memory_space<vmem>>
      %dma_wait3A_108 = tpu.memref_slice %arg5[%mul3A_14] : memref<6400xi32, #tpu.memory_space<vmem>> -> memref<128xi32, #tpu.memory_space<vmem>>
      %dma_wait3A_109 = arith.constant 0 : i32
      %dma_wait3A_110 = tpu.memref_slice %arg3[%dma_wait3A_109] : memref<100000xf32, #tpu.memory_space<hbm>> -> memref<100000xf32, #tpu.memory_space<hbm>>
      tpu.wait_indirect_dma semaphore(%arg7 : memref<!tpu.dma_semaphore, #tpu.memory_space<semaphore_mem>>) src(%dma_wait3A_110 : memref<100000xf32, #tpu.memory_space<hbm>>) dst(%dma_wait3A : memref<128xf32, #tpu.memory_space<vmem>>)
      %dma_wait3A_111 = tpu.memref_slice %arg6[%mul3A_23] : memref<6400xf32, #tpu.memory_space<vmem>> -> memref<128xf32, #tpu.memory_space<vmem>>
      %dma_wait3A_112 = tpu.memref_slice %arg5[%mul3A_23] : memref<6400xi32, #tpu.memory_space<vmem>> -> memref<128xi32, #tpu.memory_space<vmem>>
      %dma_wait3A_113 = arith.constant 0 : i32
      %dma_wait3A_114 = tpu.memref_slice %arg3[%dma_wait3A_113] : memref<100000xf32, #tpu.memory_space<hbm>> -> memref<100000xf32, #tpu.memory_space<hbm>>
      tpu.wait_indirect_dma semaphore(%arg7 : memref<!tpu.dma_semaphore, #tpu.memory_space<semaphore_mem>>) src(%dma_wait3A_114 : memref<100000xf32, #tpu.memory_space<hbm>>) dst(%dma_wait3A_111 : memref<128xf32, #tpu.memory_space<vmem>>)
      %dma_wait3A_115 = tpu.memref_slice %arg6[%mul3A_33] : memref<6400xf32, #tpu.memory_space<vmem>> -> memref<128xf32, #tpu.memory_space<vmem>>
      %dma_wait3A_116 = tpu.memref_slice %arg5[%mul3A_33] : memref<6400xi32, #tpu.memory_space<vmem>> -> memref<128xi32, #tpu.memory_space<vmem>>
      %dma_wait3A_117 = arith.constant 0 : i32
      %dma_wait3A_118 = tpu.memref_slice %arg3[%dma_wait3A_117] : memref<100000xf32, #tpu.memory_space<hbm>> -> memref<100000xf32, #tpu.memory_space<hbm>>
      tpu.wait_indirect_dma semaphore(%arg7 : memref<!tpu.dma_semaphore, #tpu.memory_space<semaphore_mem>>) src(%dma_wait3A_118 : memref<100000xf32, #tpu.memory_space<hbm>>) dst(%dma_wait3A_115 : memref<128xf32, #tpu.memory_space<vmem>>)
      %dma_wait3A_119 = tpu.memref_slice %arg6[%mul3A_43] : memref<6400xf32, #tpu.memory_space<vmem>> -> memref<128xf32, #tpu.memory_space<vmem>>
      %dma_wait3A_120 = tpu.memref_slice %arg5[%mul3A_43] : memref<6400xi32, #tpu.memory_space<vmem>> -> memref<128xi32, #tpu.memory_space<vmem>>
      %dma_wait3A_121 = arith.constant 0 : i32
      %dma_wait3A_122 = tpu.memref_slice %arg3[%dma_wait3A_121] : memref<100000xf32, #tpu.memory_space<hbm>> -> memref<100000xf32, #tpu.memory_space<hbm>>
      tpu.wait_indirect_dma semaphore(%arg7 : memref<!tpu.dma_semaphore, #tpu.memory_space<semaphore_mem>>) src(%dma_wait3A_122 : memref<100000xf32, #tpu.memory_space<hbm>>) dst(%dma_wait3A_119 : memref<128xf32, #tpu.memory_space<vmem>>)
      %dma_wait3A_123 = tpu.memref_slice %arg6[%mul3A_53] : memref<6400xf32, #tpu.memory_space<vmem>> -> memref<128xf32, #tpu.memory_space<vmem>>
      %dma_wait3A_124 = tpu.memref_slice %arg5[%mul3A_53] : memref<6400xi32, #tpu.memory_space<vmem>> -> memref<128xi32, #tpu.memory_space<vmem>>
      %dma_wait3A_125 = arith.constant 0 : i32
      %dma_wait3A_126 = tpu.memref_slice %arg3[%dma_wait3A_125] : memref<100000xf32, #tpu.memory_space<hbm>> -> memref<100000xf32, #tpu.memory_space<hbm>>
      tpu.wait_indirect_dma semaphore(%arg7 : memref<!tpu.dma_semaphore, #tpu.memory_space<semaphore_mem>>) src(%dma_wait3A_126 : memref<100000xf32, #tpu.memory_space<hbm>>) dst(%dma_wait3A_123 : memref<128xf32, #tpu.memory_space<vmem>>)
      %dma_wait3A_127 = tpu.memref_slice %arg6[%mul3A_63] : memref<6400xf32, #tpu.memory_space<vmem>> -> memref<128xf32, #tpu.memory_space<vmem>>
      %dma_wait3A_128 = tpu.memref_slice %arg5[%mul3A_63] : memref<6400xi32, #tpu.memory_space<vmem>> -> memref<128xi32, #tpu.memory_space<vmem>>
      %dma_wait3A_129 = arith.constant 0 : i32
      %dma_wait3A_130 = tpu.memref_slice %arg3[%dma_wait3A_129] : memref<100000xf32, #tpu.memory_space<hbm>> -> memref<100000xf32, #tpu.memory_space<hbm>>
      tpu.wait_indirect_dma semaphore(%arg7 : memref<!tpu.dma_semaphore, #tpu.memory_space<semaphore_mem>>) src(%dma_wait3A_130 : memref<100000xf32, #tpu.memory_space<hbm>>) dst(%dma_wait3A_127 : memref<128xf32, #tpu.memory_space<vmem>>)
      %dma_wait3A_131 = tpu.memref_slice %arg6[%mul3A_73] : memref<6400xf32, #tpu.memory_space<vmem>> -> memref<128xf32, #tpu.memory_space<vmem>>
      %dma_wait3A_132 = tpu.memref_slice %arg5[%mul3A_73] : memref<6400xi32, #tpu.memory_space<vmem>> -> memref<128xi32, #tpu.memory_space<vmem>>
      %dma_wait3A_133 = arith.constant 0 : i32
      %dma_wait3A_134 = tpu.memref_slice %arg3[%dma_wait3A_133] : memref<100000xf32, #tpu.memory_space<hbm>> -> memref<100000xf32, #tpu.memory_space<hbm>>
      tpu.wait_indirect_dma semaphore(%arg7 : memref<!tpu.dma_semaphore, #tpu.memory_space<semaphore_mem>>) src(%dma_wait3A_134 : memref<100000xf32, #tpu.memory_space<hbm>>) dst(%dma_wait3A_131 : memref<128xf32, #tpu.memory_space<vmem>>)
      %dma_wait3A_135 = tpu.memref_slice %arg6[%mul3A_83] : memref<6400xf32, #tpu.memory_space<vmem>> -> memref<128xf32, #tpu.memory_space<vmem>>
      %dma_wait3A_136 = tpu.memref_slice %arg5[%mul3A_83] : memref<6400xi32, #tpu.memory_space<vmem>> -> memref<128xi32, #tpu.memory_space<vmem>>
      %dma_wait3A_137 = arith.constant 0 : i32
      %dma_wait3A_138 = tpu.memref_slice %arg3[%dma_wait3A_137] : memref<100000xf32, #tpu.memory_space<hbm>> -> memref<100000xf32, #tpu.memory_space<hbm>>
      tpu.wait_indirect_dma semaphore(%arg7 : memref<!tpu.dma_semaphore, #tpu.memory_space<semaphore_mem>>) src(%dma_wait3A_138 : memref<100000xf32, #tpu.memory_space<hbm>>) dst(%dma_wait3A_135 : memref<128xf32, #tpu.memory_space<vmem>>)
      %dma_wait3A_139 = tpu.memref_slice %arg6[%mul3A_93] : memref<6400xf32, #tpu.memory_space<vmem>> -> memref<128xf32, #tpu.memory_space<vmem>>
      %dma_wait3A_140 = tpu.memref_slice %arg5[%mul3A_93] : memref<6400xi32, #tpu.memory_space<vmem>> -> memref<128xi32, #tpu.memory_space<vmem>>
      %dma_wait3A_141 = arith.constant 0 : i32
      %dma_wait3A_142 = tpu.memref_slice %arg3[%dma_wait3A_141] : memref<100000xf32, #tpu.memory_space<hbm>> -> memref<100000xf32, #tpu.memory_space<hbm>>
      tpu.wait_indirect_dma semaphore(%arg7 : memref<!tpu.dma_semaphore, #tpu.memory_space<semaphore_mem>>) src(%dma_wait3A_142 : memref<100000xf32, #tpu.memory_space<hbm>>) dst(%dma_wait3A_139 : memref<128xf32, #tpu.memory_space<vmem>>)
      %dma_wait3A_143 = tpu.memref_slice %arg6[%mul3A_103] : memref<6400xf32, #tpu.memory_space<vmem>> -> memref<128xf32, #tpu.memory_space<vmem>>
      %dma_wait3A_144 = tpu.memref_slice %arg5[%mul3A_103] : memref<6400xi32, #tpu.memory_space<vmem>> -> memref<128xi32, #tpu.memory_space<vmem>>
      %dma_wait3A_145 = arith.constant 0 : i32
      %dma_wait3A_146 = tpu.memref_slice %arg3[%dma_wait3A_145] : memref<100000xf32, #tpu.memory_space<hbm>> -> memref<100000xf32, #tpu.memory_space<hbm>>
      tpu.wait_indirect_dma semaphore(%arg7 : memref<!tpu.dma_semaphore, #tpu.memory_space<semaphore_mem>>) src(%dma_wait3A_146 : memref<100000xf32, #tpu.memory_space<hbm>>) dst(%dma_wait3A_143 : memref<128xf32, #tpu.memory_space<vmem>>)
    }
    %scan3A_7 = arith.constant 5 : i32
    "tpu.region"() ({
      %run_scoped3A = tpu.sem_alloc : memref<!tpu.dma_semaphore, #tpu.memory_space<semaphore_mem>>
      %dma_start3A = tpu.memref_slice %arg4[%mul3A_2] : memref<204800xf32, #tpu.memory_space<hbm>> -> memref<6400xf32, #tpu.memory_space<hbm>>
      %dma_start3A_8 = tpu.memref_slice %arg4[%mul3A_2] : memref<204800xf32, #tpu.memory_space<hbm>> -> memref<6400xf32, #tpu.memory_space<hbm>>
      tpu.enqueue_dma source(%arg6 : memref<6400xf32, #tpu.memory_space<vmem>>) target(%dma_start3A_8 : memref<6400xf32, #tpu.memory_space<hbm>>) target_semaphore(%run_scoped3A : memref<!tpu.dma_semaphore, #tpu.memory_space<semaphore_mem>>)
      %dma_wait3A = tpu.memref_slice %arg4[%mul3A_2] : memref<204800xf32, #tpu.memory_space<hbm>> -> memref<6400xf32, #tpu.memory_space<hbm>>
      %dma_wait3A_9 = tpu.memref_slice %arg4[%mul3A_2] : memref<204800xf32, #tpu.memory_space<hbm>> -> memref<6400xf32, #tpu.memory_space<hbm>>
      tpu.wait_dma2 semaphore(%run_scoped3A : memref<!tpu.dma_semaphore, #tpu.memory_space<semaphore_mem>>) src(%arg6 : memref<6400xf32, #tpu.memory_space<vmem>>) dst(%dma_wait3A_9 : memref<6400xf32, #tpu.memory_space<hbm>>)
      tpu.yield
    }) : () -> ()
    return
  }
}

module attributes {stable_mosaic.version = 14 : i64} {
  func.func @_kc_body(%arg0: i32, %arg1: memref<64x4096xi8, #tpu.memory_space<vmem>>, %arg2: memref<4096xf32, #tpu.memory_space<vmem>>) attributes {dimension_semantics = [#tpu.dimension_semantics<arbitrary>], iteration_bounds = array<i64: 25>, scalar_prefetch = 0 : i64, scratch_operands = 0 : i64, tpu.core_type = #tpu.core_type<tc>, window_params = [{transform_indices = @transform_0, window_bounds = array<i64: 64, 4096>}, {transform_indices = @transform_1, window_bounds = array<i64: 4096>}]} {
    %get3A = arith.constant 0 : index
    %get3A_0 = arith.constant 0 : index
    %get3A_1 = vector.load %arg1[%get3A, %get3A_0] : memref<64x4096xi8, #tpu.memory_space<vmem>>, vector<64x4096xi8>
    %convert_element_type3A = arith.sitofp %get3A_1 : vector<64x4096xi8> to vector<64x4096xf32>
    %iota3A = tpu.iota {dimensions = array<i32: 0>} : vector<64x4096xi32>
    %convert_element_type3A_2 = arith.sitofp %iota3A : vector<64x4096xi32> to vector<64x4096xf32>
    %mul3A = arith.mulf %convert_element_type3A, %convert_element_type3A_2 : vector<64x4096xf32>
    %reduce_sum3A = arith.constant dense<0.000000e+00> : vector<4096xf32>
    %reduce_sum3A_3 = vector.multi_reduction <add>, %mul3A, %reduce_sum3A [0] : vector<64x4096xf32> to vector<4096xf32>
    %swap3A = arith.constant 0 : index
    %swap3A_4 = vector.load %arg2[%swap3A] : memref<4096xf32, #tpu.memory_space<vmem>>, vector<4096xf32>
    tpu.vector_store %arg2[%swap3A], %reduce_sum3A_3 {strides = array<i32>} : memref<4096xf32, #tpu.memory_space<vmem>>, vector<4096xf32>,
    return
  }
  func.func @transform_0(%arg0: i32) -> (i32, i32) {
    %c0_i32 = arith.constant 0 : i32
    %c0_i32_0 = arith.constant 0 : i32
    return %c0_i32, %arg0 : i32, i32
  }
  func.func @transform_1(%arg0: i32) -> i32 {
    %c0_i32 = arith.constant 0 : i32
    return %arg0 : i32
  }
}

module attributes {stable_mosaic.version = 14 : i64} {
  func.func @_mlp_body(%arg0: i32, %arg1: memref<8192xf32, #tpu.memory_space<vmem>>, %arg2: memref<8192xf32, #tpu.memory_space<vmem>>, %arg3: memref<8192xf32, #tpu.memory_space<vmem>>, %arg4: memref<128x3xf32, #tpu.memory_space<vmem>>, %arg5: memref<128x1xf32, #tpu.memory_space<vmem>>, %arg6: memref<128x128xf32, #tpu.memory_space<vmem>>, %arg7: memref<128x1xf32, #tpu.memory_space<vmem>>, %arg8: memref<2x128xf32, #tpu.memory_space<vmem>>, %arg9: memref<2x1xf32, #tpu.memory_space<vmem>>, %arg10: memref<8192xf32, #tpu.memory_space<vmem>>, %arg11: memref<8192xf32, #tpu.memory_space<vmem>>) attributes {dimension_semantics = [#tpu.dimension_semantics<arbitrary>], iteration_bounds = array<i64: 25>, scalar_prefetch = 0 : i64, scratch_operands = 0 : i64, tpu.core_type = #tpu.core_type<tc>, window_params = [{transform_indices = @transform_0, window_bounds = array<i64: 8192>}, {transform_indices = @transform_1, window_bounds = array<i64: 8192>}, {transform_indices = @transform_2, window_bounds = array<i64: 8192>}, {pipeline_mode = #tpu.pipeline_mode<synchronous>, transform_indices = @transform_3, window_bounds = array<i64: 128, 3>}, {pipeline_mode = #tpu.pipeline_mode<synchronous>, transform_indices = @transform_4, window_bounds = array<i64: 128, 1>}, {pipeline_mode = #tpu.pipeline_mode<synchronous>, transform_indices = @transform_5, window_bounds = array<i64: 128, 128>}, {pipeline_mode = #tpu.pipeline_mode<synchronous>, transform_indices = @transform_6, window_bounds = array<i64: 128, 1>}, {pipeline_mode = #tpu.pipeline_mode<synchronous>, transform_indices = @transform_7, window_bounds = array<i64: 2, 128>}, {pipeline_mode = #tpu.pipeline_mode<synchronous>, transform_indices = @transform_8, window_bounds = array<i64: 2, 1>}, {transform_indices = @transform_9, window_bounds = array<i64: 8192>}, {transform_indices = @transform_10, window_bounds = array<i64: 8192>}]} {
    %get3A = arith.constant 0 : index
    %get3A_0 = vector.load %arg1[%get3A] : memref<8192xf32, #tpu.memory_space<vmem>>, vector<8192xf32>
    %broadcast_in_dim3A = vector.shape_cast %get3A_0 : vector<8192xf32> to vector<1x8192xf32>
    %get3A_1 = arith.constant 0 : index
    %get3A_2 = vector.load %arg2[%get3A_1] : memref<8192xf32, #tpu.memory_space<vmem>>, vector<8192xf32>
    %broadcast_in_dim3A_3 = vector.shape_cast %get3A_2 : vector<8192xf32> to vector<1x8192xf32>
    %get3A_4 = arith.constant 0 : index
    %get3A_5 = vector.load %arg3[%get3A_4] : memref<8192xf32, #tpu.memory_space<vmem>>, vector<8192xf32>
    %broadcast_in_dim3A_6 = vector.shape_cast %get3A_5 : vector<8192xf32> to vector<1x8192xf32>
    %concatenate3A = tpu.concatenate %broadcast_in_dim3A, %broadcast_in_dim3A_3, %broadcast_in_dim3A_6 in 0 : vector<1x8192xf32>, vector<1x8192xf32>, vector<1x8192xf32> -> vector<3x8192xf32>
    %get3A_7 = arith.constant 0 : index
    %get3A_8 = arith.constant 0 : index
    %get3A_9 = vector.load %arg5[%get3A_7, %get3A_8] : memref<128x1xf32, #tpu.memory_space<vmem>>, vector<128x1xf32>
    %broadcast_in_dim3A_10 = vector.shape_cast %get3A_9 : vector<128x1xf32> to vector<128x1xf32>
    %broadcast_in_dim3A_11 = vector.broadcast %broadcast_in_dim3A_10 : vector<128x1xf32> to vector<128x8192xf32>
    %get3A_12 = arith.constant 0 : index
    %get3A_13 = arith.constant 0 : index
    %get3A_14 = vector.load %arg7[%get3A_12, %get3A_13] : memref<128x1xf32, #tpu.memory_space<vmem>>, vector<128x1xf32>
    %broadcast_in_dim3A_15 = vector.shape_cast %get3A_14 : vector<128x1xf32> to vector<128x1xf32>
    %broadcast_in_dim3A_16 = vector.broadcast %broadcast_in_dim3A_15 : vector<128x1xf32> to vector<128x8192xf32>
    %get3A_17 = arith.constant 0 : index
    %get3A_18 = arith.constant 0 : index
    %get3A_19 = vector.load %arg9[%get3A_17, %get3A_18] : memref<2x1xf32, #tpu.memory_space<vmem>>, vector<2x1xf32>
    %broadcast_in_dim3A_20 = vector.shape_cast %get3A_19 : vector<2x1xf32> to vector<2x1xf32>
    %broadcast_in_dim3A_21 = vector.broadcast %broadcast_in_dim3A_20 : vector<2x1xf32> to vector<2x8192xf32>
    %get3A_22 = arith.constant 0 : index
    %get3A_23 = arith.constant 0 : index
    %get3A_24 = vector.load %arg4[%get3A_22, %get3A_23] : memref<128x3xf32, #tpu.memory_space<vmem>>, vector<128x3xf32>
    %dot_general3A = arith.constant dense<0.000000e+00> : vector<128x8192xf32>
    %dot_general3A_25 = tpu.matmul %get3A_24, %concatenate3A, %dot_general3A {dimension_numbers = #tpu.dot_dimension_numbers<[1], [0], [0], [1], [0, 0, 1, 1], [], []>, transpose_lhs_hint = false} : vector<128x3xf32>, vector<3x8192xf32>, vector<128x8192xf32> -> vector<128x8192xf32>
    %add3A = arith.addf %dot_general3A_25, %broadcast_in_dim3A_11 : vector<128x8192xf32>
    %mul3A = arith.constant 5.000000e-01 : f32
    %mul3A_26 = vector.broadcast %mul3A : f32 to vector<128x8192xf32>
    %mul3A_27 = arith.mulf %mul3A_26, %add3A : vector<128x8192xf32>
    %mul3A_28 = arith.constant 0.707106769 : f32
    %mul3A_29 = vector.broadcast %mul3A_28 : f32 to vector<128x8192xf32>
    %mul3A_30 = arith.mulf %add3A, %mul3A_29 : vector<128x8192xf32>
    %erf3A = math.erf %mul3A_30 : vector<128x8192xf32>
    %add3A_31 = arith.constant 1.000000e+00 : f32
    %add3A_32 = vector.broadcast %add3A_31 : f32 to vector<128x8192xf32>
    %add3A_33 = arith.addf %add3A_32, %erf3A : vector<128x8192xf32>
    %mul3A_34 = arith.mulf %mul3A_27, %add3A_33 : vector<128x8192xf32>
    %get3A_35 = arith.constant 0 : index
    %get3A_36 = arith.constant 0 : index
    %get3A_37 = vector.load %arg6[%get3A_35, %get3A_36] : memref<128x128xf32, #tpu.memory_space<vmem>>, vector<128x128xf32>
    %dot_general3A_38 = arith.constant dense<0.000000e+00> : vector<128x8192xf32>
    %dot_general3A_39 = tpu.matmul %get3A_37, %mul3A_34, %dot_general3A_38 {dimension_numbers = #tpu.dot_dimension_numbers<[1], [0], [0], [1], [0, 0, 1, 1], [], []>, transpose_lhs_hint = false} : vector<128x128xf32>, vector<128x8192xf32>, vector<128x8192xf32> -> vector<128x8192xf32>
    %add3A_40 = arith.addf %dot_general3A_39, %broadcast_in_dim3A_16 : vector<128x8192xf32>
    %mul3A_41 = arith.constant 5.000000e-01 : f32
    %mul3A_42 = vector.broadcast %mul3A_41 : f32 to vector<128x8192xf32>
    %mul3A_43 = arith.mulf %mul3A_42, %add3A_40 : vector<128x8192xf32>
    %mul3A_44 = arith.constant 0.707106769 : f32
    %mul3A_45 = vector.broadcast %mul3A_44 : f32 to vector<128x8192xf32>
    %mul3A_46 = arith.mulf %add3A_40, %mul3A_45 : vector<128x8192xf32>
    %erf3A_47 = math.erf %mul3A_46 : vector<128x8192xf32>
    %add3A_48 = arith.constant 1.000000e+00 : f32
    %add3A_49 = vector.broadcast %add3A_48 : f32 to vector<128x8192xf32>
    %add3A_50 = arith.addf %add3A_49, %erf3A_47 : vector<128x8192xf32>
    %mul3A_51 = arith.mulf %mul3A_43, %add3A_50 : vector<128x8192xf32>
    %get3A_52 = arith.constant 0 : index
    %get3A_53 = arith.constant 0 : index
    %get3A_54 = vector.load %arg8[%get3A_52, %get3A_53] : memref<2x128xf32, #tpu.memory_space<vmem>>, vector<2x128xf32>
    %dot_general3A_55 = arith.constant dense<0.000000e+00> : vector<2x8192xf32>
    %dot_general3A_56 = tpu.matmul %get3A_54, %mul3A_51, %dot_general3A_55 {dimension_numbers = #tpu.dot_dimension_numbers<[1], [0], [0], [1], [0, 0, 1, 1], [], []>, transpose_lhs_hint = false} : vector<2x128xf32>, vector<128x8192xf32>, vector<2x8192xf32> -> vector<2x8192xf32>
    %add3A_57 = arith.addf %dot_general3A_56, %broadcast_in_dim3A_21 : vector<2x8192xf32>
    %mul3A_58 = arith.constant 5.000000e-01 : f32
    %mul3A_59 = vector.broadcast %mul3A_58 : f32 to vector<2x8192xf32>
    %mul3A_60 = arith.mulf %mul3A_59, %add3A_57 : vector<2x8192xf32>
    %mul3A_61 = arith.constant 0.707106769 : f32
    %mul3A_62 = vector.broadcast %mul3A_61 : f32 to vector<2x8192xf32>
    %mul3A_63 = arith.mulf %add3A_57, %mul3A_62 : vector<2x8192xf32>
    %erf3A_64 = math.erf %mul3A_63 : vector<2x8192xf32>
    %add3A_65 = arith.constant 1.000000e+00 : f32
    %add3A_66 = vector.broadcast %add3A_65 : f32 to vector<2x8192xf32>
    %add3A_67 = arith.addf %add3A_66, %erf3A_64 : vector<2x8192xf32>
    %mul3A_68 = arith.mulf %mul3A_60, %add3A_67 : vector<2x8192xf32>
    %slice3A = vector.extract_strided_slice %mul3A_68 {offsets = [0, 0], sizes = [1, 8192], strides = [1, 1]} : vector<2x8192xf32> to vector<1x8192xf32>
    %squeeze3A = vector.shape_cast %slice3A : vector<1x8192xf32> to vector<8192xf32>
    %swap3A = arith.constant 0 : index
    %swap3A_69 = vector.load %arg10[%swap3A] : memref<8192xf32, #tpu.memory_space<vmem>>, vector<8192xf32>
    tpu.vector_store %arg10[%swap3A], %squeeze3A {strides = array<i32>} : memref<8192xf32, #tpu.memory_space<vmem>>, vector<8192xf32>,
    %slice3A_70 = vector.extract_strided_slice %mul3A_68 {offsets = [1, 0], sizes = [1, 8192], strides = [1, 1]} : vector<2x8192xf32> to vector<1x8192xf32>
    %squeeze3A_71 = vector.shape_cast %slice3A_70 : vector<1x8192xf32> to vector<8192xf32>
    %max3A = arith.constant 9.99999993E-9 : f32
    %max3A_72 = vector.broadcast %max3A : f32 to vector<8192xf32>
    %max3A_73 = arith.maximumf %squeeze3A_71, %max3A_72 : vector<8192xf32>
    %neg3A = arith.constant 0.000000e+00 : f32
    %neg3A_74 = vector.broadcast %neg3A : f32 to vector<8192xf32>
    %neg3A_75 = arith.subf %neg3A_74, %max3A_73 : vector<8192xf32>
    %exp3A = math.exp %neg3A_75 : vector<8192xf32>
    %swap3A_76 = arith.constant 0 : index
    %swap3A_77 = vector.load %arg11[%swap3A_76] : memref<8192xf32, #tpu.memory_space<vmem>>, vector<8192xf32>
    tpu.vector_store %arg11[%swap3A_76], %exp3A {strides = array<i32>} : memref<8192xf32, #tpu.memory_space<vmem>>, vector<8192xf32>,
    return
  }
  func.func @transform_0(%arg0: i32) -> i32 {
    %c0_i32 = arith.constant 0 : i32
    return %arg0 : i32
  }
  func.func @transform_1(%arg0: i32) -> i32 {
    %c0_i32 = arith.constant 0 : i32
    return %arg0 : i32
  }
  func.func @transform_2(%arg0: i32) -> i32 {
    %c0_i32 = arith.constant 0 : i32
    return %arg0 : i32
  }
  func.func @transform_3(%arg0: i32) -> (i32, i32) {
    %c0_i32 = arith.constant 0 : i32
    %c0_i32_0 = arith.constant 0 : i32
    %c0_i32_1 = arith.constant 0 : i32
    return %c0_i32, %c0_i32_0 : i32, i32
  }
  func.func @transform_4(%arg0: i32) -> (i32, i32) {
    %c0_i32 = arith.constant 0 : i32
    %c0_i32_0 = arith.constant 0 : i32
    %c0_i32_1 = arith.constant 0 : i32
    return %c0_i32, %c0_i32_0 : i32, i32
  }
  func.func @transform_5(%arg0: i32) -> (i32, i32) {
    %c0_i32 = arith.constant 0 : i32
    %c0_i32_0 = arith.constant 0 : i32
    %c0_i32_1 = arith.constant 0 : i32
    return %c0_i32, %c0_i32_0 : i32, i32
  }
  func.func @transform_6(%arg0: i32) -> (i32, i32) {
    %c0_i32 = arith.constant 0 : i32
    %c0_i32_0 = arith.constant 0 : i32
    %c0_i32_1 = arith.constant 0 : i32
    return %c0_i32, %c0_i32_0 : i32, i32
  }
  func.func @transform_7(%arg0: i32) -> (i32, i32) {
    %c0_i32 = arith.constant 0 : i32
    %c0_i32_0 = arith.constant 0 : i32
    %c0_i32_1 = arith.constant 0 : i32
    return %c0_i32, %c0_i32_0 : i32, i32
  }
  func.func @transform_8(%arg0: i32) -> (i32, i32) {
    %c0_i32 = arith.constant 0 : i32
    %c0_i32_0 = arith.constant 0 : i32
    %c0_i32_1 = arith.constant 0 : i32
    return %c0_i32, %c0_i32_0 : i32, i32
  }
  func.func @transform_9(%arg0: i32) -> i32 {
    %c0_i32 = arith.constant 0 : i32
    return %arg0 : i32
  }
  func.func @transform_10(%arg0: i32) -> i32 {
    %c0_i32 = arith.constant 0 : i32
    return %arg0 : i32
  }
}

module attributes {stable_mosaic.version = 14 : i64} {
  func.func @_scan_body(%arg0: memref<200x1024xf32, #tpu.memory_space<vmem>>, %arg1: memref<200x1024xf32, #tpu.memory_space<vmem>>, %arg2: memref<200x1024xf32, #tpu.memory_space<vmem>>, %arg3: memref<200x1024xf32, #tpu.memory_space<vmem>>, %arg4: memref<200x1024xf32, #tpu.memory_space<vmem>>, %arg5: memref<64x1024xf32, #tpu.memory_space<vmem>>) attributes {dimension_semantics = [], scalar_prefetch = 0 : i64, scratch_operands = 2 : i64, tpu.core_type = #tpu.core_type<tc>} {
    %broadcast_in_dim3A = arith.constant 0.000000e+00 : f32
    %broadcast_in_dim3A_0 = vector.broadcast %broadcast_in_dim3A : f32 to vector<1x1024xf32>
    %scan3A = arith.constant 0 : i32
    %scan3A_1 = arith.constant 200 : i32
    %scan3A_2 = arith.addi %scan3A, %scan3A_1 : i32
    %scan3A_3 = arith.constant 1 : i32
    %scan3A_4 = scf.for %scan3A_15 = %scan3A to %scan3A_2 step %scan3A_3 iter_args(%scan3A_16 = %broadcast_in_dim3A_0) -> (vector<1x1024xf32>)  : i32 {
      %sub3A = arith.constant 199 : i32
      %sub3A_17 = arith.subi %sub3A, %scan3A_15 : i32
      %swap3A_18 = arith.index_cast %sub3A_17 : i32 to index
      %swap3A_19 = arith.constant 0 : index
      %swap3A_20 = vector.load %arg4[%swap3A_18, %swap3A_19] : memref<200x1024xf32, #tpu.memory_space<vmem>>, vector<1x1024xf32>
      tpu.vector_store %arg4[%swap3A_18, %swap3A_19], %scan3A_16 {strides = array<i32>} : memref<200x1024xf32, #tpu.memory_space<vmem>>, vector<1x1024xf32>,
      %get3A = arith.index_cast %sub3A_17 : i32 to index
      %get3A_21 = arith.constant 0 : index
      %get3A_22 = vector.load %arg1[%get3A, %get3A_21] : memref<200x1024xf32, #tpu.memory_space<vmem>>, vector<1x1024xf32>
      %add3A = arith.addf %get3A_22, %scan3A_16 : vector<1x1024xf32>
      %add3A_23 = arith.constant 1.000000e+00 : f32
      %add3A_24 = vector.broadcast %add3A_23 : f32 to vector<1x1024xf32>
      %add3A_25 = arith.addf %add3A_24, %get3A_22 : vector<1x1024xf32>
      %add3A_26 = arith.addf %add3A_25, %scan3A_16 : vector<1x1024xf32>
      %div3A = arith.divf %add3A, %add3A_26 : vector<1x1024xf32>
      scf.yield %div3A : vector<1x1024xf32>
    }
    %scan3A_5 = arith.constant 200 : i32
    %broadcast_in_dim3A_6 = arith.constant 0.000000e+00 : f32
    %broadcast_in_dim3A_7 = vector.broadcast %broadcast_in_dim3A_6 : f32 to vector<64x1024xf32>
    %swap3A = arith.constant 0 : index
    %swap3A_8 = arith.constant 0 : index
    %swap3A_9 = vector.load %arg5[%swap3A, %swap3A_8] : memref<64x1024xf32, #tpu.memory_space<vmem>>, vector<64x1024xf32>
    tpu.vector_store %arg5[%swap3A, %swap3A_8], %broadcast_in_dim3A_7 {strides = array<i32>} : memref<64x1024xf32, #tpu.memory_space<vmem>>, vector<64x1024xf32>,
    %iota3A = tpu.iota {dimensions = array<i32: 0>} : vector<64x1024xi32>
    %convert_element_type3A = arith.sitofp %iota3A : vector<64x1024xi32> to vector<64x1024xf32>
    %scan3A_10 = arith.constant 0 : i32
    %scan3A_11 = arith.constant 200 : i32
    %scan3A_12 = arith.addi %scan3A_10, %scan3A_11 : i32
    %scan3A_13 = arith.constant 1 : i32
    scf.for %scan3A_15 = %scan3A_10 to %scan3A_12 step %scan3A_13  : i32 {
      %get3A = arith.index_cast %scan3A_15 : i32 to index
      %get3A_16 = arith.constant 0 : index
      %get3A_17 = vector.load %arg2[%get3A, %get3A_16] : memref<200x1024xf32, #tpu.memory_space<vmem>>, vector<1x1024xf32>
      %eq3A = vector.broadcast %get3A_17 : vector<1x1024xf32> to vector<64x1024xf32>
      %eq3A_18 = arith.cmpf oeq, %convert_element_type3A, %eq3A : vector<64x1024xf32>
      %get3A_19 = arith.constant 0 : index
      %get3A_20 = arith.constant 0 : index
      %get3A_21 = vector.load %arg5[%get3A_19, %get3A_20] : memref<64x1024xf32, #tpu.memory_space<vmem>>, vector<64x1024xf32>
      %jit3A = arith.constant 0.000000e+00 : f32
      %broadcast_in_dim3A_22 = vector.broadcast %jit3A : f32 to vector<64x1024xf32>
      %select_n3A = arith.select %eq3A_18, %get3A_21, %broadcast_in_dim3A_22 : vector<64x1024xi1>, vector<64x1024xf32>
      %reduce_sum3A = arith.constant dense<0.000000e+00> : vector<1024xf32>
      %reduce_sum3A_23 = vector.multi_reduction <add>, %select_n3A, %reduce_sum3A [0] : vector<64x1024xf32> to vector<1024xf32>
      %broadcast_in_dim3A_24 = vector.shape_cast %reduce_sum3A_23 : vector<1024xf32> to vector<1x1024xf32>
      %get3A_25 = arith.index_cast %scan3A_15 : i32 to index
      %get3A_26 = arith.constant 0 : index
      %get3A_27 = vector.load %arg4[%get3A_25, %get3A_26] : memref<200x1024xf32, #tpu.memory_space<vmem>>, vector<1x1024xf32>
      %get3A_28 = arith.index_cast %scan3A_15 : i32 to index
      %get3A_29 = arith.constant 0 : index
      %get3A_30 = vector.load %arg0[%get3A_28, %get3A_29] : memref<200x1024xf32, #tpu.memory_space<vmem>>, vector<1x1024xf32>
      %get3A_31 = arith.index_cast %scan3A_15 : i32 to index
      %get3A_32 = arith.constant 0 : index
      %get3A_33 = vector.load %arg1[%get3A_31, %get3A_32] : memref<200x1024xf32, #tpu.memory_space<vmem>>, vector<1x1024xf32>
      %mul3A = arith.mulf %get3A_30, %get3A_33 : vector<1x1024xf32>
      %add3A = arith.addf %broadcast_in_dim3A_24, %mul3A : vector<1x1024xf32>
      %mul3A_34 = arith.mulf %get3A_27, %get3A_27 : vector<1x1024xf32>
      %add3A_35 = arith.addf %add3A, %mul3A_34 : vector<1x1024xf32>
      %add3A_36 = arith.constant 1.000000e+00 : f32
      %add3A_37 = vector.broadcast %add3A_36 : f32 to vector<1x1024xf32>
      %add3A_38 = arith.addf %add3A_37, %get3A_33 : vector<1x1024xf32>
      %add3A_39 = arith.addf %add3A_38, %get3A_27 : vector<1x1024xf32>
      %div3A = arith.divf %add3A_35, %add3A_39 : vector<1x1024xf32>
      %broadcast_in_dim3A_40 = vector.shape_cast %div3A : vector<1x1024xf32> to vector<1x1024xf32>
      %broadcast_in_dim3A_41 = vector.broadcast %broadcast_in_dim3A_40 : vector<1x1024xf32> to vector<64x1024xf32>
      %select_n3A_42 = arith.select %eq3A_18, %broadcast_in_dim3A_41, %get3A_21 : vector<64x1024xi1>, vector<64x1024xf32>
      %swap3A_43 = arith.constant 0 : index
      %swap3A_44 = arith.constant 0 : index
      %swap3A_45 = vector.load %arg5[%swap3A_43, %swap3A_44] : memref<64x1024xf32, #tpu.memory_space<vmem>>, vector<64x1024xf32>
      tpu.vector_store %arg5[%swap3A_43, %swap3A_44], %select_n3A_42 {strides = array<i32>} : memref<64x1024xf32, #tpu.memory_space<vmem>>, vector<64x1024xf32>,
      %swap3A_46 = arith.index_cast %scan3A_15 : i32 to index
      %swap3A_47 = arith.constant 0 : index
      %swap3A_48 = vector.load %arg3[%swap3A_46, %swap3A_47] : memref<200x1024xf32, #tpu.memory_space<vmem>>, vector<1x1024xf32>
      tpu.vector_store %arg3[%swap3A_46, %swap3A_47], %div3A {strides = array<i32>} : memref<200x1024xf32, #tpu.memory_space<vmem>>, vector<1x1024xf32>,
    }
    %scan3A_14 = arith.constant 200 : i32
    return
  }
}

</mosaic_0001>

<sc_bundles>
// kernel: kernel.10.cloned.1.call-start
scs
__scs_entry_jumppad:
0x0: {  	(pc) =	sbr.rel $0x88, $3  }
0x1: {  	(tag) =	ssettag $0x0;
	lr =	simm.s32 $0x1  }
0x2: {  	[smem:$0x3F96] =	sst lr;
	_ =	strace $0xD0000000  }
0x3: {  	_ = 	snop  }
0x4: {  	_ = 	snop  }
0x5: {  	_ = 	snop  }
0x6: {  	_ = 	snop  }
0x7: {  	_ = 	snop  }
__scs_overlays_trampoline_lowered:
0x8: {  	[smem:$0x3FA5] =	sst s0  }
0x9: {  	[smem:$0x3FA6] =	sst s1  }
0xa: {  	[smem:$0x3FA7] =	sst s2  }
0xb: {  	[smem:$0x3FA8] =	sst s3  }
0xc: {  	[smem:$0x3FA9] =	sst s4  }
0xd: {  	[smem:$0x3FAA] =	sst s5  }
0xe: {  	[smem:$0x3FAB] =	sst s6  }
0xf: {  	[smem:$0x3FAC] =	sst s7  }
0x10: {  	[smem:$0x3FAD] =	sst s8  }
0x11: {  	[smem:$0x3FAE] =	sst s9;
	s0 =	simm.s32 @!p0 $0x0  }
0x12: {  	s1 =	sld [smem:$0x3F94];
	s0 =	simm.s32 @p0 $0x1  }
0x13: {  	[smem:$0x3FAF] =	sst s0;
	s0 =	simm.s32 @!p1 $0x0  }
0x14: {  	s2 =	sld [smem:$0x3F93];
	s0 =	simm.s32 @p1 $0x1  }
0x15: {  	[smem:$0x3FB0] =	sst s0;
	s0 =	simm.s32 @!p2 $0x0  }
0x16: {  	s3 =	sld [smem:$0x3FDB];
	s0 =	simm.s32 @p2 $0x1  }
0x17: {  	s4 =	simm.s32 $0x1BF5;
	[smem:$0x3FB2] =	sst s0  }
0x18: {  	s0 =	sld [smem:$0x3F95];
	_ =	swait.ge [sflag:s4], $0x0  }
0x19: {  	s7 =	sld [smem:$0x3F96]  }
0x1a: {  	s8 =	sadd.s32 $0xFFFFE003, lr  }
0x1b: {  	s9 =	sadd.s32 $0xFFFFFEF7, lr;
	s5 =	simm.s32 $0xFFFFFFFF;
	p2 =	slt.u32 s8, $0xFFFFF086  }
0x1c: {  	p1 =	slt.u32 s9, $0xF7A;
	s5 =	simm.s32 @!p2 $0x0  }
0x1d: {  	s5 =	simm.s32 @p1 $0x1;
	p0 =	seq.s32 s7, s2  }
0x1e: {  	s7 =	smul.u32 @!p0 $0xF7A, s2;
	p2 =	seq.s32 @!p0 s5, $0x0  }
0x1f: {  	s9 =	smul.u32 $0xF7A, s1;
	s8 =	simm.s32 @!p0 $0x1BF5;
	p2 =	por !p2, p0  }
0x20: {  	[sflag:s8] =	ssyncset.s32 @!p0 $0xFFFFF086;
	s6 =	sadd.s32 @!p0 s3, s7;
	s7 =	simm.s32 @!p0 $0x108  }
0x21: {  	s3 =	sadd.s32 s3, s9;
	s6 =	sadd.s32 @!p0 $0x88, s6;
	s7 =	simm.s32 @p2 $0x1082  }
0x22: {  	[simem:s7], [sflag:s8] =	dma.local @!p0 [hbm:s6], $0xF7A  }
0x23: {  	s9 =	sor.u32 $0xD0000000, s2;
	s6 =	simm.s32 $0x108;
	_ =	swait.ge @!p0 [sflag:s8], $0x0  }
0x24: {  	s3 =	sadd.s32 $0x88, s3;
	s6 =	simm.s32 @!p1 $0x1082;
	[sflag:s4] =	ssyncset.s32 $0xFFFFF086  }
0x25: {  	[simem:s6], [sflag:s4] =	dma.local [hbm:s3], $0xF7A  }
0x26: {  	[smem:$0x3F96] =	sst s1;
	(tag) =	ssettag s2;
	_ =	strace s9  }
0x27: {  	s1 =	sld [smem:$0x3FA6]  }
0x28: {  	s2 =	sld [smem:$0x3FA7]  }
0x29: {  	s4 =	sld [smem:$0x3FA9]  }
0x2a: {  	p0 =	seq.s32 s5, $0x0;
	s5 =	sld [smem:$0x3FAA]  }
0x2b: {  	s6 =	sld [smem:$0x3FAB]  }
0x2c: {  	s7 =	sld [smem:$0x3FAC]  }
0x2d: {  	s3 =	simm.s32 $0x108;
	s8 =	sld [smem:$0x3FAD]  }
0x2e: {  	s3 =	simm.s32 @!p0 $0x1082;
	s9 =	sld [smem:$0x3FAE]  }
0x2f: {  	lr =	sadd.s32 s0, s3;
	s0 =	sld [smem:$0x3FA5]  }
0x30: {  	s3 =	sld [smem:$0x3FA8]  }
0x31: {  	[smem:$0x3FB1] =	sst s10  }
0x32: {  	s10 =	sld [smem:$0x3FAF];
	_ =	sdelay $0x3  }
0x33: {  	p0 =	seq.s32 s10, $0x1;
	s10 =	sld [smem:$0x3FB1];
	_ =	sdelay $0x3  }
0x34: {  	[smem:$0x3FB1] =	sst s10  }
0x35: {  	s10 =	sld [smem:$0x3FB0];
	_ =	sdelay $0x3  }
0x36: {  	p1 =	seq.s32 s10, $0x1;
	s10 =	sld [smem:$0x3FB1];
	_ =	sdelay $0x3  }
0x37: {  	[smem:$0x3FB1] =	sst s10  }
0x38: {  	s10 =	sld [smem:$0x3FB2]  }
0x39: {  	_ = 	snop;
	(pc) =	sbr.ind lr, $3  }
0x3a: {  	_ = 	snop  }
0x3b: {  	_ = 	snop  }
0x3c: {  	p2 =	seq.s32 s10, $0x1;
	s10 =	sld [smem:$0x3FB1]  }
0x3d: {  	_ =	shalt  }
0x3e: {  	_ =	shalt  }
0x3f: {  	_ =	shalt  }
0x40: {  	_ =	shalt  }
0x41: {  	_ =	shalt  }
0x42: {  	_ =	shalt  }
0x43: {  	_ =	shalt  }
0x44: {  	_ =	shalt  }
0x45: {  	_ =	shalt  }
0x46: {  	_ =	shalt  }
0x47: {  	_ =	shalt  }
0x48: {  	_ =	shalt  }
0x49: {  	_ =	shalt  }
0x4a: {  	_ =	shalt  }
0x4b: {  	_ =	shalt  }
0x4c: {  	_ =	shalt  }
0x4d: {  	_ =	shalt  }
0x4e: {  	_ =	shalt  }
0x4f: {  	_ =	shalt  }
0x50: {  	_ =	shalt  }
0x51: {  	_ =	shalt  }
0x52: {  	_ =	shalt  }
0x53: {  	_ =	shalt  }
0x54: {  	_ =	shalt  }
0x55: {  	_ =	shalt  }
0x56: {  	_ =	shalt  }
0x57: {  	_ =	shalt  }
0x58: {  	_ =	shalt  }
0x59: {  	_ =	shalt  }
0x5a: {  	_ =	shalt  }
0x5b: {  	_ =	shalt  }
0x5c: {  	_ =	shalt  }
0x5d: {  	_ =	shalt  }
0x5e: {  	_ =	shalt  }
0x5f: {  	_ =	shalt  }
0x60: {  	_ =	shalt  }
0x61: {  	_ =	shalt  }
0x62: {  	_ =	shalt  }
0x63: {  	_ =	shalt  }
0x64: {  	_ =	shalt  }
0x65: {  	_ =	shalt  }
0x66: {  	_ =	shalt  }
0x67: {  	_ =	shalt  }
0x68: {  	_ =	shalt  }
0x69: {  	_ =	shalt  }
0x6a: {  	_ =	shalt  }
0x6b: {  	_ =	shalt  }
0x6c: {  	_ =	shalt  }
0x6d: {  	_ =	shalt  }
0x6e: {  	_ =	shalt  }
0x6f: {  	_ =	shalt  }
0x70: {  	_ =	shalt  }
0x71: {  	_ =	shalt  }
0x72: {  	_ =	shalt  }
0x73: {  	_ =	shalt  }
0x74: {  	_ =	shalt  }
0x75: {  	_ =	shalt  }
0x76: {  	_ =	shalt  }
0x77: {  	_ =	shalt  }
0x78: {  	_ =	shalt  }
0x79: {  	_ =	shalt  }
0x7a: {  	_ =	shalt  }
0x7b: {  	_ =	shalt  }
0x7c: {  	_ =	shalt  }
0x7d: {  	_ =	shalt  }
0x7e: {  	_ =	shalt  }
0x7f: {  	_ =	shalt  }
0x80: {  	_ =	shalt  }
0x81: {  	_ =	shalt  }
0x82: {  	_ =	shalt  }
0x83: {  	_ =	shalt  }
0x84: {  	_ =	shalt  }
0x85: {  	_ =	shalt  }
0x86: {  	_ =	shalt  }
0x87: {  	_ =	shalt  }
.Lfunc_end0:
.L_simem_size_0:
called_computation.1_lowered:
.L_overlay_start_0:
0x88: {  	s2 =	sld [smem:$0x3FD9]  }
0x89: {  	s3 =	sld [smem:$0x3FFE];
	_ =	sdelay $0x1  }
0x8a: {  	s1 =	srdreg.scid  }
0x8b: {  	s0 =	sand.u32 $0x1, s1  }
0x8c: {  	s17 =	sshll.u32 s0, $0xA;
	s2 =	sadd.s32 s3, s2  }
0x8d: {  	s2 =	sadd.s32 s2, s17  }
0x8e: {  	[smem:$0x3FBD] =	sst s2  }
0x8f: {  	_ = 	snop  }
0x90: {  	s18 =	sld [smem:$0x3FD0];
	(tm) =	ssettm $0x1  }
0x91: {  	s19 =	sld [smem:$0x3FFB];
	_ =	sdelay $0x3  }
0x92: {  	_ =	strace s19  }
0x93: {  	s2 =	sld [smem:$0x3FFC];
	_ =	sdelay $0x3  }
0x94: {  	_ =	strace s2  }
0x95: {  	s2 =	sld [smem:$0x3FFD];
	_ =	sdelay $0x3  }
0x96: {  	_ =	strace s2  }
0x97: {  	_ =	strace $0x8FFFFFFF  }
0x98: {  	s20 =	sld [smem:$0x3FDB];
	_ =	sdelay $0x1  }
0x99: {  	s4 =	simm.s32 $_scs_section_size  }
0x9a: {  	s5 =	simm.s32 $_size__tile_overlayer_lowered;
	s6 =	simm.s32 $_tile_overlayer_lowered  }
0x9b: {  	s7 =	simm.s32 $0x1BFF;
	s21 =	sshll.u32 s6, $0x1;
	s4 =	sadd.s32 s4, s20  }
0x9c: {  	s22 =	simm.s32 $0x0;
	s5 =	sshll.u32 s5, $0x1;
	s6 =	sadd.s32 s21, s4  }
0x9d: {  	[timem:s22], [sflag:s7] =	dma.local [hbm:s6], s5  }
0x9e: {  	_ =	swait.ge [sflag:s7], s5  }
0x9f: {  	s5 =	ssub.s32 $0x0, s5;
	[sflag:s7] =	ssyncset.done $0x0  }
0xa0: {  	[sflag:s7] =	ssyncadd.s32 s5;
	_ =	sdelay $0x1  }
0xa1: {  	s23 =	simm.s32 $0x1B8B  }
0xa2: {  	_ =	swait.ge [sflag:s23], $0x1  }
0xa3: {  	[sflag:s23] =	ssyncset.done $0x0  }
0xa4: {  	[sflag:s23] =	ssyncadd.s32 $0xFFFFFFFF  }
0xa5: {  	s5 =	sld [smem:$0x0]  }
0xa6: {  	s6 =	sand.u32 $0xFFFFFFFE, s1  }
0xa7: {  	p0 =	sne.s32 s1, s6  }
0xa8: {  	s6 =	sshll.u32 @p0 s6, $0xE  }
0xa9: {  	s6 =	sadd.s32 @p0 $0x11B8D, s6;
	s7 =	sshll.u32 @p0 s5, $0x11  }
0xaa: {  	s6 =	sor.u32 @p0 s7, s6  }
0xab: {  	[sflag:s6] =	ssyncadd.remote.s32 @p0 $0x1;
	_ =	sdelay $0x1  }
0xac: {  	s6 =	simm.s32 @p0 $0x1B8D  }
0xad: {  	_ =	swait.eq @p0 [sflag:s6], $0x1  }
0xae: {  	[sflag:s6] =	ssyncadd.s32 @p0 $0xFFFFFFFF  }
0xaf: {  	s7 =	sshll.u32 @!p0 s1, $0xE  }
0xb0: {  	s7 =	sor.u32 @!p0 $0x4000, s7;
	s6 =	simm.s32 @!p0 $0x1B8D  }
0xb1: {  	s5 =	sshll.u32 @!p0 s5, $0x11;
	s7 =	sadd.s32 @!p0 $0x11B8D, s7;
	_ =	swait.eq @!p0 [sflag:s6], $0x1  }
0xb2: {  	s5 =	sor.u32 @!p0 s5, s7;
	[sflag:s6] =	ssyncadd.s32 @!p0 $0xFFFFFFFF  }
0xb3: {  	s25 =	simm.s32 $0x1B8E;
	s24 =	sld [smem:$0x3FFE];
	[sflag:s5] =	ssyncadd.remote.s32 @!p0 $0x1  }
0xb4: {  	s26 =	simm.s32 $execute0_lowered;
	[smem:$0x3FD2] =	sst s25  }
0xb5: {  	s6 =	sshll.u32 s26, $0x1;
	_ =	strace $0x80000049;
	[dreg:$0x1] =	wrdreg $0xFFFFFFFF  }
0xb6: {  	s28 =	simm.s32 $_size_execute0_lowered;
	s4 =	sadd.s32 s4, s6;
	[dreg:$0x0] =	wrdreg $0x0  }
0xb7: {  	s6 =	sshll.u32 s28, $0x1;
	[dreg:$0x2] =	wrdreg s4  }
0xb8: {  	[dreg:$0x3] =	wrdreg s6  }
0xb9: {  	[dreg:$0x4] =	wrdreg $0xC0  }
0xba: {  	_ =	task [dreg:s22], $0x5FFFF  }
0xbb: {  	[dreg:$0x1] =	wrdreg $0xFFFFFFFF  }
0xbc: {  	[dreg:$0x0] =	wrdreg $0x60  }
0xbd: {  	[dreg:$0x2] =	wrdreg s18  }
0xbe: {  	[dreg:$0x3] =	wrdreg s24  }
0xbf: {  	[dreg:$0x4] =	wrdreg $0xA  }
0xc0: {  	_ =	task.clear_ibuf [dreg:s22], $0x5FFFF;
	_ =	strace $0x90000049  }
0xc1: {  	s29 =	simm.s32 $0xA;
	_ =	strace $0x8000004B  }
0xc2: {  	_ =	swait.ge [sflag:s29], $0x1  }
0xc3: {  	[sflag:s29] =	ssyncadd.s32 $0xFFFFFFFF  }
0xc4: {  	_ =	strace $0x9000004B  }
0xc5: {  	_ =	sfence  }
0xc6: {  	s30 =	sld [smem:$0x0];
	_ =	sdelay $0x2  }
0xc7: {  	s31 =	sshll.u32 s1, $0xD;
	s1 =	sshrl.u32 s1, $0x2  }
0xc8: {  	s4 =	sand.u32 $0x4000, s31;
	s1 =	sadd.s32 s1, s30  }
0xc9: {  	s0 =	sor.u32 s4, s0;
	s1 =	sshll.u32 s1, $0x11  }
0xca: {  	s0 =	sor.u32 s1, s0  }
0xcb: {  	s0 =	sadd.s32 $0x8F2B, s0  }
0xcc: {  	[sflag:s0] =	ssyncadd.remote.s32 $0x1  }
0xcd: {  	_ =	sfence.sel $0xFFFF  }
0xce: {  	[dreg:$0x0] =	wrdreg $0xFFFFFFFF;
	(pc) =	sbr.abs _section_cstart, $3  }
0xcf: {  	[dreg:$0x1] =	wrdreg $0xFFFFFFFF  }
0xd0: {  	_ =	task.clear_ibuf [dreg:s22], $0x2FFFF;
	_ =	strace $0x9FFFFFFF  }
0xd1: {  	(tm) =	ssettm $0x7FFFFFFF  }
tec
execute0_lowered:
.L_overlay_start_1:
0x0: {  	(tag) =	ssettag $0x1  }
0x1: {  	s1 =	srdreg.scid;
	s0 =	stileid.u32  }
0x2: {  	s3 =	rddreg [dreg:$0x0];
	s1 =	sand.u32 $0x1, s1;
	s2 =	sshll.u32 s0, $0x1  }
0x3: {  	s4 =	rddreg [dreg:$0x1];
	s5 =	sor.u32 s1, s2;
	s2 =	simm.s32 $0x0  }
0x4: {  	s20 =	simm.s32 $0x1980;
	[smem:$0x7FF] =	sst s2  }
0x5: {  	s21 =	simm.s32 $0x100;
	_ =	strace $0x8000004A;
	[dreg:$0x5] =	wrdreg s20  }
0x6: {  	s22 =	simm.s32 $0x1A00;
	[dreg:$0x6] =	wrdreg s21  }
0x7: {  	s23 =	simm.s32 $0x180;
	[dreg:$0x7] =	wrdreg s22  }
0x8: {  	s24 =	simm.s32 $0x1A80;
	[dreg:$0x8] =	wrdreg s23  }
0x9: {  	s25 =	simm.s32 $0x200;
	[dreg:$0x9] =	wrdreg s24  }
0xa: {  	s26 =	simm.s32 $0x1B00;
	[dreg:$0xa] =	wrdreg s25  }
0xb: {  	s0 =	simm.s32 $0x280;
	[dreg:$0xb] =	wrdreg s26  }
0xc: {  	s7 =	simm.s32 $0x1C00;
	[dreg:$0xc] =	wrdreg s0  }
0xd: {  	s8 =	simm.s32 $0x380;
	[dreg:$0xf] =	wrdreg s7  }
0xe: {  	s9 =	simm.s32 $0x1C80;
	[dreg:$0x10] =	wrdreg s8  }
0xf: {  	s10 =	simm.s32 $0x400;
	[dreg:$0x11] =	wrdreg s9  }
0x10: {  	s11 =	simm.s32 $0x1D00;
	[dreg:$0x12] =	wrdreg s10  }
0x11: {  	s12 =	simm.s32 $0x480;
	[dreg:$0x13] =	wrdreg s11  }
0x12: {  	s13 =	simm.s32 $0x1D80;
	[dreg:$0x14] =	wrdreg s12  }
0x13: {  	s14 =	simm.s32 $0x500;
	[dreg:$0x15] =	wrdreg s13  }
0x14: {  	s15 =	simm.s32 $0x1E00;
	[dreg:$0x16] =	wrdreg s14  }
0x15: {  	s16 =	simm.s32 $0x580;
	[dreg:$0x17] =	wrdreg s15  }
0x16: {  	s17 =	simm.s32 $0x1E80;
	[dreg:$0x18] =	wrdreg s16  }
0x17: {  	s18 =	simm.s32 $0x600;
	[dreg:$0x19] =	wrdreg s17  }
0x18: {  	[dreg:$0x1a] =	wrdreg s18;
	s20 =	simm.s32 $0x680  }
0x19: {  	s21 =	simm.s32 $0x1F80;
	[dreg:$0x1c] =	wrdreg s20  }
0x1a: {  	s22 =	simm.s32 $0x700;
	[dreg:$0x1d] =	wrdreg s21  }
0x1b: {  	s23 =	simm.s32 $0x2000;
	[dreg:$0x1e] =	wrdreg s22  }
0x1c: {  	s24 =	simm.s32 $0x780;
	[dreg:$0x1f] =	wrdreg s23  }
0x1d: {  	s25 =	simm.s32 $0x2080;
	[smem:$0x7CF] =	sst s24  }
0x1e: {  	s26 =	simm.s32 $0x800;
	[smem:$0x7D0] =	sst s25  }
0x1f: {  	s0 =	simm.s32 $0x2100;
	[smem:$0x7D5] =	sst s26  }
0x20: {  	s7 =	simm.s32 $0x900;
	[smem:$0x7D4] =	sst s0  }
0x21: {  	s8 =	simm.s32 $0x2200;
	[smem:$0x7D1] =	sst s7  }
0x22: {  	s9 =	simm.s32 $0x980;
	[smem:$0x7D3] =	sst s8  }
0x23: {  	s10 =	simm.s32 $0x2280;
	[smem:$0x7D8] =	sst s9  }
0x24: {  	s11 =	simm.s32 $0xA00;
	[smem:$0x7D7] =	sst s10  }
0x25: {  	s12 =	simm.s32 $0x2300;
	[smem:$0x7E1] =	sst s11  }
0x26: {  	s13 =	simm.s32 $0xA80;
	[smem:$0x7E0] =	sst s12  }
0x27: {  	s14 =	simm.s32 $0x2380;
	[smem:$0x7DC] =	sst s13  }
0x28: {  	s15 =	simm.s32 $0xB00;
	[smem:$0x7DF] =	sst s14  }
0x29: {  	s16 =	simm.s32 $0x2400;
	[smem:$0x7E2] =	sst s15  }
0x2a: {  	s5 =	smul.u32 $0x320, s5;
	s17 =	simm.s32 $0xB80;
	[smem:$0x7E3] =	sst s16  }
0x2b: {  	s18 =	simm.s32 $0x2480;
	[smem:$0x7DD] =	sst s17  }
0x2c: {  	s3 =	sadd.s32 s3, s5;
	[smem:$0x7D9] =	sst s18  }
0x2d: {  	s6 =	sadd.s32 s5, s4;
	s5 =	simm.s32 $0x1B80;
	[dreg:$0x3] =	wrdreg s3  }
0x2e: {  	s20 =	simm.s32 $0x2500;
	[dreg:$0xd] =	wrdreg s5  }
0x2f: {  	s21 =	simm.s32 $0xC80;
	[smem:$0x7E4] =	sst s20  }
0x30: {  	s22 =	simm.s32 $0x2580;
	[smem:$0x7E6] =	sst s21  }
0x31: {  	s23 =	simm.s32 $0xD00;
	[smem:$0x7DB] =	sst s22  }
0x32: {  	s24 =	simm.s32 $0x2600;
	[smem:$0x7E7] =	sst s23  }
0x33: {  	s25 =	simm.s32 $0xD80;
	[smem:$0x7DE] =	sst s24  }
0x34: {  	s26 =	simm.s32 $0x2680;
	[smem:$0x7E9] =	sst s25  }
0x35: {  	s0 =	simm.s32 $0xE00;
	[smem:$0x7E8] =	sst s26  }
0x36: {  	s7 =	simm.s32 $0x2780;
	[smem:$0x7EA] =	sst s0  }
0x37: {  	s8 =	simm.s32 $0xF00;
	[smem:$0x7EB] =	sst s7  }
0x38: {  	s9 =	simm.s32 $0x2800;
	[smem:$0x7F4] =	sst s8  }
0x39: {  	s10 =	simm.s32 $0xF80;
	[smem:$0x7F1] =	sst s9  }
0x3a: {  	s11 =	simm.s32 $0x2880;
	[smem:$0x7F2] =	sst s10  }
0x3b: {  	s12 =	simm.s32 $0x1000;
	[smem:$0x7F0] =	sst s11  }
0x3c: {  	s13 =	simm.s32 $0x2900;
	[smem:$0x7EE] =	sst s12  }
0x3d: {  	s14 =	simm.s32 $0x1080;
	[smem:$0x7F3] =	sst s13  }
0x3e: {  	s15 =	simm.s32 $0x2980;
	[smem:$0x7F8] =	sst s14  }
0x3f: {  	s16 =	simm.s32 $0x1100;
	[smem:$0x7F7] =	sst s15  }
0x40: {  	s17 =	simm.s32 $0x2A00;
	[smem:$0x7F9] =	sst s16  }
0x41: {  	s18 =	simm.s32 $0x1180;
	[smem:$0x7EF] =	sst s17  }
0x42: {  	s19 =	sadd.s32 $0x17600, s6;
	[smem:$0x7FA] =	sst s18  }
0x43: {  	s6 =	simm.s32 $0x300;
	[dreg:$0x4] =	wrdreg s19  }
0x44: {  	s5 =	simm.s32 $0x880;
	[dreg:$0xe] =	wrdreg s6  }
0x45: {  	s20 =	simm.s32 $0x1200;
	[smem:$0x7D6] =	sst s5  }
0x46: {  	s21 =	simm.s32 $0x2B00;
	[smem:$0x7FB] =	sst s20  }
0x47: {  	s22 =	simm.s32 $0x1280;
	[smem:$0x7F5] =	sst s21  }
0x48: {  	[smem:$0x7FC] =	sst s22  }
0x49: {  	s23 =	simm.s32 $0x2B80;
	s24 =	rddreg [dreg:$0x3]  }
0x4a: {  	s25 =	simm.s32 $0x1300;
	[smem:$0x7ED] =	sst s23  }
0x4b: {  	s19 =	simm.s32 $0x1F00;
	[smem:$0x7FD] =	sst s25  }
0x4c: {  	s6 =	simm.s32 $0x2180;
	[dreg:$0x1b] =	wrdreg s19  }
0x4d: {  	s5 =	simm.s32 $0x2700;
	[smem:$0x7D2] =	sst s6  }
0x4e: {  	s19 =	simm.s32 $0xC00;
	[smem:$0x7DA] =	sst s5  }
0x4f: {  	[tilespmem:s2], [sflag:$0x2] =	stream.linear.gather [hbm4b:s24+s2], $0x1900, $0x38;
	[tilespmem:$0x3200] =	vst v63  }
0x50: {  	s6 =	simm.s32 $0xE80;
	[smem:$0x7E5] =	sst s19  }
0x51: {  	[smem:$0x7EC] =	sst s6;
	s19 =	simm.s32 $0x2A80  }
0x52: {  	s3 =	simm.s32 $0x2;
	[smem:$0x7F6] =	sst s19  }
0x53: {  	_ =	swait.ge [sflag:s3], $0x1900  }
0x54: {  	s26 =	rddreg [dreg:$0x8]  }
0x55: {  	s8 =	rddreg [dreg:$0x11]  }
0x56: {  	s9 =	rddreg [dreg:$0xb]  }
0x57: {  	s10 =	rddreg [dreg:$0x9]  }
0x58: {  	s11 =	rddreg [dreg:$0xd]  }
0x59: {  	s7 =	simm.s32 $0x80;
	s12 =	rddreg [dreg:$0x6]  }
0x5a: {  	s6 =	sadd.s32 $0x14400, s4;
	[sflag:s3] =	ssyncset.done $0x0;
	s13 =	rddreg [dreg:$0x5]  }
0x5b: {  	s4 =	simm.s32 $0x1900;
	s14 =	rddreg [dreg:$0x7];
	[sflag:s3] =	ssyncadd.s32 $0xFFFFE700  }
0x5c: {  	[tilespmem:s4], [sflag:$0x1] =	stream.indirect.gather [hbm4b:s6+s7], $0x1, s2, s7, $0xb8;
	[tilespmem:$0x3200] =	vst v63  }
0x5d: {  	s15 =	rddreg [dreg:$0xa]  }
0x5e: {  	[tilespmem:s13], [sflag:$0x1] =	stream.indirect.gather [hbm4b:s6+s7], $0x1, s7, s7, $0xb8;
	[tilespmem:$0x3200] =	vst v63  }
0x5f: {  	s16 =	rddreg [dreg:$0xc]  }
0x60: {  	[tilespmem:s14], [sflag:$0x1] =	stream.indirect.gather [hbm4b:s6+s7], $0x1, s12, s7, $0xb8;
	[tilespmem:$0x3200] =	vst v63  }
0x61: {  	s0 =	rddreg [dreg:$0xf]  }
0x62: {  	[tilespmem:s10], [sflag:$0x1] =	stream.indirect.gather [hbm4b:s6+s7], $0x1, s26, s7, $0xb8;
	[tilespmem:$0x3200] =	vst v63  }
0x63: {  	s17 =	rddreg [dreg:$0xe]  }
0x64: {  	[tilespmem:s9], [sflag:$0x1] =	stream.indirect.gather [hbm4b:s6+s7], $0x1, s15, s7, $0xb8;
	[tilespmem:$0x3200] =	vst v63  }
0x65: {  	s18 =	rddreg [dreg:$0x10]  }
0x66: {  	[tilespmem:s11], [sflag:$0x1] =	stream.indirect.gather [hbm4b:s6+s7], $0x1, s16, s7, $0xb8;
	[tilespmem:$0x3200] =	vst v63  }
0x67: {  	s19 =	rddreg [dreg:$0x13]  }
0x68: {  	[tilespmem:s0], [sflag:$0x1] =	stream.indirect.gather [hbm4b:s6+s7], $0x1, s17, s7, $0xb8;
	[tilespmem:$0x3200] =	vst v63  }
0x69: {  	s20 =	rddreg [dreg:$0x12]  }
0x6a: {  	[tilespmem:s8], [sflag:$0x1] =	stream.indirect.gather [hbm4b:s6+s7], $0x1, s18, s7, $0xb8;
	[tilespmem:$0x3200] =	vst v63  }
0x6b: {  	s21 =	rddreg [dreg:$0x14]  }
0x6c: {  	[tilespmem:s19], [sflag:$0x1] =	stream.indirect.gather [hbm4b:s6+s7], $0x1, s20, s7, $0xb8;
	[tilespmem:$0x3200] =	vst v63  }
0x6d: {  	s5 =	simm.s32 $0x1;
	s22 =	rddreg [dreg:$0x15]  }
0x6e: {  	[tilespmem:s22], [sflag:$0x1] =	stream.indirect.gather [hbm4b:s6+s7], $0x1, s21, s7, $0xb8;
	[tilespmem:$0x3200] =	vst v63  }
0x6f: {  	_ =	swait.ge [sflag:s5], $0x80  }
0x70: {  	[sflag:s5] =	ssyncset.done $0x0  }
0x71: {  	[sflag:s5] =	ssyncadd.s32 $0xFFFFFF80  }
0x72: {  	_ =	swait.ge [sflag:s5], $0x80  }
0x73: {  	[sflag:s5] =	ssyncset.done $0x0  }
0x74: {  	[sflag:s5] =	ssyncadd.s32 $0xFFFFFF80  }
0x75: {  	_ =	swait.ge [sflag:s5], $0x80  }
0x76: {  	[sflag:s5] =	ssyncset.done $0x0  }
0x77: {  	[sflag:s5] =	ssyncadd.s32 $0xFFFFFF80  }
0x78: {  	_ =	swait.ge [sflag:s5], $0x80  }
0x79: {  	[sflag:s5] =	ssyncset.done $0x0  }
0x7a: {  	[sflag:s5] =	ssyncadd.s32 $0xFFFFFF80  }
0x7b: {  	_ =	swait.ge [sflag:s5], $0x80  }
0x7c: {  	[sflag:s5] =	ssyncset.done $0x0  }
0x7d: {  	[sflag:s5] =	ssyncadd.s32 $0xFFFFFF80  }
0x7e: {  	_ =	swait.ge [sflag:s5], $0x80  }
0x7f: {  	[sflag:s5] =	ssyncset.done $0x0  }
0x80: {  	[sflag:s5] =	ssyncadd.s32 $0xFFFFFF80  }
0x81: {  	_ =	swait.ge [sflag:s5], $0x80  }
0x82: {  	[sflag:s5] =	ssyncset.done $0x0  }
0x83: {  	[sflag:s5] =	ssyncadd.s32 $0xFFFFFF80  }
0x84: {  	_ =	swait.ge [sflag:s5], $0x80  }
0x85: {  	[sflag:s5] =	ssyncset.done $0x0  }
0x86: {  	[sflag:s5] =	ssyncadd.s32 $0xFFFFFF80  }
0x87: {  	_ =	swait.ge [sflag:s5], $0x80  }
0x88: {  	[sflag:s5] =	ssyncset.done $0x0  }
0x89: {  	[sflag:s5] =	ssyncadd.s32 $0xFFFFFF80  }
0x8a: {  	_ =	swait.ge [sflag:s5], $0x80  }
0x8b: {  	s8 =	rddreg [dreg:$0x1e]  }
0x8c: {  	s9 =	sld [smem:$0x7CF]  }
0x8d: {  	s10 =	rddreg [dreg:$0x1c]  }
0x8e: {  	s23 =	rddreg [dreg:$0x1b]  }
0x8f: {  	s24 =	rddreg [dreg:$0x1a]  }
0x90: {  	s25 =	rddreg [dreg:$0x19]  }
0x91: {  	s26 =	rddreg [dreg:$0x16]  }
0x92: {  	s0 =	rddreg [dreg:$0x18]  }
0x93: {  	s20 =	rddreg [dreg:$0x17]  }
0x94: {  	s17 =	rddreg [dreg:$0x1f]  }
0x95: {  	[sflag:s5] =	ssyncset.done $0x0;
	s18 =	rddreg [dreg:$0x1d]  }
0x96: {  	s19 =	sld [smem:$0x7D0];
	[sflag:s5] =	ssyncadd.s32 $0xFFFFFF80  }
0x97: {  	[tilespmem:s20], [sflag:$0x1] =	stream.indirect.gather [hbm4b:s6+s7], $0x1, s26, s7, $0xb8;
	[tilespmem:$0x3200] =	vst v63  }
0x98: {  	s21 =	sld [smem:$0x7D1]  }
0x99: {  	[tilespmem:s25], [sflag:$0x1] =	stream.indirect.gather [hbm4b:s6+s7], $0x1, s0, s7, $0xb8;
	[tilespmem:$0x3200] =	vst v63  }
0x9a: {  	s22 =	sld [smem:$0x7D2]  }
0x9b: {  	[tilespmem:s23], [sflag:$0x1] =	stream.indirect.gather [hbm4b:s6+s7], $0x1, s24, s7, $0xb8;
	[tilespmem:$0x3200] =	vst v63  }
0x9c: {  	s26 =	sld [smem:$0x7D6]  }
0x9d: {  	[tilespmem:s18], [sflag:$0x1] =	stream.indirect.gather [hbm4b:s6+s7], $0x1, s10, s7, $0xb8;
	[tilespmem:$0x3200] =	vst v63  }
0x9e: {  	s25 =	sld [smem:$0x7D5]  }
0x9f: {  	[tilespmem:s17], [sflag:$0x1] =	stream.indirect.gather [hbm4b:s6+s7], $0x1, s8, s7, $0xb8;
	[tilespmem:$0x3200] =	vst v63  }
0xa0: {  	s24 =	sld [smem:$0x7D4]  }
0xa1: {  	[tilespmem:s19], [sflag:$0x1] =	stream.indirect.gather [hbm4b:s6+s7], $0x1, s9, s7, $0xb8;
	[tilespmem:$0x3200] =	vst v63  }
0xa2: {  	s0 =	sld [smem:$0x7D7]  }
0xa3: {  	[tilespmem:s24], [sflag:$0x1] =	stream.indirect.gather [hbm4b:s6+s7], $0x1, s25, s7, $0xb8;
	[tilespmem:$0x3200] =	vst v63  }
0xa4: {  	s23 =	sld [smem:$0x7D3]  }
0xa5: {  	[tilespmem:s22], [sflag:$0x1] =	stream.indirect.gather [hbm4b:s6+s7], $0x1, s26, s7, $0xb8;
	[tilespmem:$0x3200] =	vst v63  }
0xa6: {  	s10 =	sld [smem:$0x7D8]  }
0xa7: {  	[tilespmem:s23], [sflag:$0x1] =	stream.indirect.gather [hbm4b:s6+s7], $0x1, s21, s7, $0xb8;
	[tilespmem:$0x3200] =	vst v63  }
0xa8: {  	_ = 	snop  }
0xa9: {  	[tilespmem:s0], [sflag:$0x1] =	stream.indirect.gather [hbm4b:s6+s7], $0x1, s10, s7, $0xb8;
	[tilespmem:$0x3200] =	vst v63  }
0xaa: {  	_ =	swait.ge [sflag:s5], $0x80  }
0xab: {  	[sflag:s5] =	ssyncset.done $0x0  }
0xac: {  	[sflag:s5] =	ssyncadd.s32 $0xFFFFFF80  }
0xad: {  	_ =	swait.ge [sflag:s5], $0x80  }
0xae: {  	[sflag:s5] =	ssyncset.done $0x0  }
0xaf: {  	[sflag:s5] =	ssyncadd.s32 $0xFFFFFF80  }
0xb0: {  	_ =	swait.ge [sflag:s5], $0x80  }
0xb1: {  	[sflag:s5] =	ssyncset.done $0x0  }
0xb2: {  	[sflag:s5] =	ssyncadd.s32 $0xFFFFFF80  }
0xb3: {  	_ =	swait.ge [sflag:s5], $0x80  }
0xb4: {  	[sflag:s5] =	ssyncset.done $0x0  }
0xb5: {  	[sflag:s5] =	ssyncadd.s32 $0xFFFFFF80  }
0xb6: {  	_ =	swait.ge [sflag:s5], $0x80  }
0xb7: {  	[sflag:s5] =	ssyncset.done $0x0  }
0xb8: {  	[sflag:s5] =	ssyncadd.s32 $0xFFFFFF80  }
0xb9: {  	_ =	swait.ge [sflag:s5], $0x80  }
0xba: {  	[sflag:s5] =	ssyncset.done $0x0  }
0xbb: {  	[sflag:s5] =	ssyncadd.s32 $0xFFFFFF80  }
0xbc: {  	_ =	swait.ge [sflag:s5], $0x80  }
0xbd: {  	[sflag:s5] =	ssyncset.done $0x0  }
0xbe: {  	[sflag:s5] =	ssyncadd.s32 $0xFFFFFF80  }
0xbf: {  	_ =	swait.ge [sflag:s5], $0x80  }
0xc0: {  	[sflag:s5] =	ssyncset.done $0x0  }
0xc1: {  	[sflag:s5] =	ssyncadd.s32 $0xFFFFFF80  }
0xc2: {  	_ =	swait.ge [sflag:s5], $0x80  }
0xc3: {  	[sflag:s5] =	ssyncset.done $0x0  }
0xc4: {  	[sflag:s5] =	ssyncadd.s32 $0xFFFFFF80  }
0xc5: {  	_ =	swait.ge [sflag:s5], $0x80  }
0xc6: {  	s12 =	sld [smem:$0x7D9]  }
0xc7: {  	s9 =	sld [smem:$0x7DA]  }
0xc8: {  	s10 =	sld [smem:$0x7DB]  }
0xc9: {  	s26 =	sld [smem:$0x7DC]  }
0xca: {  	s0 =	sld [smem:$0x7DD]  }
0xcb: {  	s13 =	sld [smem:$0x7DE]  }
0xcc: {  	s17 =	sld [smem:$0x7DF]  }
0xcd: {  	s18 =	sld [smem:$0x7E0]  }
0xce: {  	s19 =	sld [smem:$0x7E1]  }
0xcf: {  	s20 =	sld [smem:$0x7E2]  }
0xd0: {  	[sflag:s5] =	ssyncset.done $0x0;
	s21 =	sld [smem:$0x7E3]  }
0xd1: {  	s22 =	sld [smem:$0x7E4];
	[sflag:s5] =	ssyncadd.s32 $0xFFFFFF80  }
0xd2: {  	[tilespmem:s18], [sflag:$0x1] =	stream.indirect.gather [hbm4b:s6+s7], $0x1, s19, s7, $0xb8;
	[tilespmem:$0x3200] =	vst v63  }
0xd3: {  	s23 =	sld [smem:$0x7E5]  }
0xd4: {  	[tilespmem:s17], [sflag:$0x1] =	stream.indirect.gather [hbm4b:s6+s7], $0x1, s26, s7, $0xb8;
	[tilespmem:$0x3200] =	vst v63  }
0xd5: {  	s24 =	sld [smem:$0x7E6]  }
0xd6: {  	[tilespmem:s21], [sflag:$0x1] =	stream.indirect.gather [hbm4b:s6+s7], $0x1, s20, s7, $0xb8;
	[tilespmem:$0x3200] =	vst v63  }
0xd7: {  	s25 =	sld [smem:$0x7E7]  }
0xd8: {  	[tilespmem:s12], [sflag:$0x1] =	stream.indirect.gather [hbm4b:s6+s7], $0x1, s0, s7, $0xb8;
	[tilespmem:$0x3200] =	vst v63  }
0xd9: {  	s11 =	sld [smem:$0x7EA]  }
0xda: {  	[tilespmem:s22], [sflag:$0x1] =	stream.indirect.gather [hbm4b:s6+s7], $0x1, s23, s7, $0xb8;
	[tilespmem:$0x3200] =	vst v63  }
0xdb: {  	s26 =	sld [smem:$0x7E8]  }
0xdc: {  	[tilespmem:s10], [sflag:$0x1] =	stream.indirect.gather [hbm4b:s6+s7], $0x1, s24, s7, $0xb8;
	[tilespmem:$0x3200] =	vst v63  }
0xdd: {  	s0 =	sld [smem:$0x7E9]  }
0xde: {  	[tilespmem:s13], [sflag:$0x1] =	stream.indirect.gather [hbm4b:s6+s7], $0x1, s25, s7, $0xb8;
	[tilespmem:$0x3200] =	vst v63  }
0xdf: {  	s14 =	sld [smem:$0x7EB]  }
0xe0: {  	[tilespmem:s26], [sflag:$0x1] =	stream.indirect.gather [hbm4b:s6+s7], $0x1, s0, s7, $0xb8;
	[tilespmem:$0x3200] =	vst v63  }
0xe1: {  	s15 =	sld [smem:$0x7EC]  }
0xe2: {  	[tilespmem:s9], [sflag:$0x1] =	stream.indirect.gather [hbm4b:s6+s7], $0x1, s11, s7, $0xb8;
	[tilespmem:$0x3200] =	vst v63  }
0xe3: {  	_ = 	snop  }
0xe4: {  	[tilespmem:s14], [sflag:$0x1] =	stream.indirect.gather [hbm4b:s6+s7], $0x1, s15, s7, $0xb8;
	[tilespmem:$0x3200] =	vst v63  }
0xe5: {  	_ =	swait.ge [sflag:s5], $0x80  }
0xe6: {  	[sflag:s5] =	ssyncset.done $0x0  }
0xe7: {  	[sflag:s5] =	ssyncadd.s32 $0xFFFFFF80  }
0xe8: {  	_ =	swait.ge [sflag:s5], $0x80  }
0xe9: {  	[sflag:s5] =	ssyncset.done $0x0  }
0xea: {  	[sflag:s5] =	ssyncadd.s32 $0xFFFFFF80  }
0xeb: {  	_ =	swait.ge [sflag:s5], $0x80  }
0xec: {  	[sflag:s5] =	ssyncset.done $0x0  }
0xed: {  	[sflag:s5] =	ssyncadd.s32 $0xFFFFFF80  }
0xee: {  	_ =	swait.ge [sflag:s5], $0x80  }
0xef: {  	[sflag:s5] =	ssyncset.done $0x0  }
0xf0: {  	[sflag:s5] =	ssyncadd.s32 $0xFFFFFF80  }
0xf1: {  	_ =	swait.ge [sflag:s5], $0x80  }
0xf2: {  	[sflag:s5] =	ssyncset.done $0x0  }
0xf3: {  	[sflag:s5] =	ssyncadd.s32 $0xFFFFFF80  }
0xf4: {  	_ =	swait.ge [sflag:s5], $0x80  }
0xf5: {  	[sflag:s5] =	ssyncset.done $0x0  }
0xf6: {  	[sflag:s5] =	ssyncadd.s32 $0xFFFFFF80  }
0xf7: {  	_ =	swait.ge [sflag:s5], $0x80  }
0xf8: {  	[sflag:s5] =	ssyncset.done $0x0  }
0xf9: {  	[sflag:s5] =	ssyncadd.s32 $0xFFFFFF80  }
0xfa: {  	_ =	swait.ge [sflag:s5], $0x80  }
0xfb: {  	[sflag:s5] =	ssyncset.done $0x0  }
0xfc: {  	[sflag:s5] =	ssyncadd.s32 $0xFFFFFF80  }
0xfd: {  	_ =	swait.ge [sflag:s5], $0x80  }
0xfe: {  	[sflag:s5] =	ssyncset.done $0x0  }
0xff: {  	[sflag:s5] =	ssyncadd.s32 $0xFFFFFF80  }
0x100: {  	_ =	swait.ge [sflag:s5], $0x80  }
0x101: {  	s8 =	sld [smem:$0x7ED]  }
0x102: {  	s16 =	sld [smem:$0x7EE]  }
0x103: {  	s17 =	sld [smem:$0x7EF]  }
0x104: {  	s18 =	sld [smem:$0x7F0]  }
0x105: {  	s19 =	sld [smem:$0x7F1]  }
0x106: {  	s20 =	sld [smem:$0x7F2]  }
0x107: {  	s21 =	sld [smem:$0x7F3]  }
0x108: {  	s22 =	sld [smem:$0x7F4]  }
0x109: {  	[sflag:s5] =	ssyncset.done $0x0;
	s23 =	sld [smem:$0x7F5]  }
0x10a: {  	s24 =	sld [smem:$0x7F6];
	[sflag:s5] =	ssyncadd.s32 $0xFFFFFF80  }
0x10b: {  	[tilespmem:s19], [sflag:$0x1] =	stream.indirect.gather [hbm4b:s6+s7], $0x1, s22, s7, $0xb8;
	[tilespmem:$0x3200] =	vst v63  }
0x10c: {  	s25 =	sld [smem:$0x7F7]  }
0x10d: {  	[tilespmem:s18], [sflag:$0x1] =	stream.indirect.gather [hbm4b:s6+s7], $0x1, s20, s7, $0xb8;
	[tilespmem:$0x3200] =	vst v63  }
0x10e: {  	s26 =	sld [smem:$0x7F8]  }
0x10f: {  	[tilespmem:s21], [sflag:$0x1] =	stream.indirect.gather [hbm4b:s6+s7], $0x1, s16, s7, $0xb8;
	[tilespmem:$0x3200] =	vst v63  }
0x110: {  	s0 =	sld [smem:$0x7F9]  }
0x111: {  	[tilespmem:s25], [sflag:$0x1] =	stream.indirect.gather [hbm4b:s6+s7], $0x1, s26, s7, $0xb8;
	[tilespmem:$0x3200] =	vst v63  }
0x112: {  	s12 =	sld [smem:$0x7FA]  }
0x113: {  	[tilespmem:s17], [sflag:$0x1] =	stream.indirect.gather [hbm4b:s6+s7], $0x1, s0, s7, $0xb8;
	[tilespmem:$0x3200] =	vst v63  }
0x114: {  	s13 =	sld [smem:$0x7FB]  }
0x115: {  	[tilespmem:s24], [sflag:$0x1] =	stream.indirect.gather [hbm4b:s6+s7], $0x1, s12, s7, $0xb8;
	[tilespmem:$0x3200] =	vst v63  }
0x116: {  	s14 =	sld [smem:$0x7FC]  }
0x117: {  	[tilespmem:s23], [sflag:$0x1] =	stream.indirect.gather [hbm4b:s6+s7], $0x1, s13, s7, $0xb8;
	[tilespmem:$0x3200] =	vst v63  }
0x118: {  	s15 =	sld [smem:$0x7FD]  }
0x119: {  	[tilespmem:s8], [sflag:$0x1] =	stream.indirect.gather [hbm4b:s6+s7], $0x1, s14, s7, $0xb8;
	[tilespmem:$0x3200] =	vst v63  }
0x11a: {  	s16 =	simm.s32 $0x2C00  }
0x11b: {  	[tilespmem:s16], [sflag:$0x1] =	stream.indirect.gather [hbm4b:s6+s7], $0x1, s15, s7, $0xb8;
	[tilespmem:$0x3200] =	vst v63  }
0x11c: {  	s18 =	simm.s32 $0x2C80;
	s17 =	simm.s32 $0x1380  }
0x11d: {  	[tilespmem:s18], [sflag:$0x1] =	stream.indirect.gather [hbm4b:s6+s7], $0x1, s17, s7, $0xb8;
	[tilespmem:$0x3200] =	vst v63  }
0x11e: {  	_ =	swait.ge [sflag:s5], $0x80  }
0x11f: {  	[sflag:s5] =	ssyncset.done $0x0  }
0x120: {  	[sflag:s5] =	ssyncadd.s32 $0xFFFFFF80  }
0x121: {  	_ =	swait.ge [sflag:s5], $0x80  }
0x122: {  	[sflag:s5] =	ssyncset.done $0x0  }
0x123: {  	[sflag:s5] =	ssyncadd.s32 $0xFFFFFF80  }
0x124: {  	_ =	swait.ge [sflag:s5], $0x80  }
0x125: {  	[sflag:s5] =	ssyncset.done $0x0  }
0x126: {  	[sflag:s5] =	ssyncadd.s32 $0xFFFFFF80  }
0x127: {  	_ =	swait.ge [sflag:s5], $0x80  }
0x128: {  	[sflag:s5] =	ssyncset.done $0x0  }
0x129: {  	[sflag:s5] =	ssyncadd.s32 $0xFFFFFF80  }
0x12a: {  	_ =	swait.ge [sflag:s5], $0x80  }
0x12b: {  	[sflag:s5] =	ssyncset.done $0x0  }
0x12c: {  	[sflag:s5] =	ssyncadd.s32 $0xFFFFFF80  }
0x12d: {  	_ =	swait.ge [sflag:s5], $0x80  }
0x12e: {  	[sflag:s5] =	ssyncset.done $0x0  }
0x12f: {  	[sflag:s5] =	ssyncadd.s32 $0xFFFFFF80  }
0x130: {  	_ =	swait.ge [sflag:s5], $0x80  }
0x131: {  	[sflag:s5] =	ssyncset.done $0x0  }
0x132: {  	[sflag:s5] =	ssyncadd.s32 $0xFFFFFF80  }
0x133: {  	_ =	swait.ge [sflag:s5], $0x80  }
0x134: {  	[sflag:s5] =	ssyncset.done $0x0  }
0x135: {  	[sflag:s5] =	ssyncadd.s32 $0xFFFFFF80  }
0x136: {  	_ =	swait.ge [sflag:s5], $0x80  }
0x137: {  	[sflag:s5] =	ssyncset.done $0x0  }
0x138: {  	[sflag:s5] =	ssyncadd.s32 $0xFFFFFF80  }
0x139: {  	_ =	swait.ge [sflag:s5], $0x80  }
0x13a: {  	[sflag:s5] =	ssyncset.done $0x0  }
0x13b: {  	s19 =	simm.s32 $0x1400;
	s20 =	simm.s32 $0x2D00;
	[sflag:s5] =	ssyncadd.s32 $0xFFFFFF80  }
0x13c: {  	[tilespmem:s20], [sflag:$0x1] =	stream.indirect.gather [hbm4b:s6+s7], $0x1, s19, s7, $0xb8;
	[tilespmem:$0x3200] =	vst v63  }
0x13d: {  	s22 =	simm.s32 $0x2D80;
	s21 =	simm.s32 $0x1480  }
0x13e: {  	[tilespmem:s22], [sflag:$0x1] =	stream.indirect.gather [hbm4b:s6+s7], $0x1, s21, s7, $0xb8;
	[tilespmem:$0x3200] =	vst v63  }
0x13f: {  	s24 =	simm.s32 $0x2E00;
	s23 =	simm.s32 $0x1500  }
0x140: {  	[tilespmem:s24], [sflag:$0x1] =	stream.indirect.gather [hbm4b:s6+s7], $0x1, s23, s7, $0xb8;
	[tilespmem:$0x3200] =	vst v63  }
0x141: {  	s1 =	ssub.s32 $0x2, s1;
	s25 =	simm.s32 $0x1580;
	s26 =	simm.s32 $0x2E80  }
0x142: {  	[tilespmem:s26], [sflag:$0x1] =	stream.indirect.gather [hbm4b:s6+s7], $0x1, s25, s7, $0xb8;
	[tilespmem:$0x3200] =	vst v63  }
0x143: {  	s28 =	sshrl.u32 s1, $0x1;
	s19 =	simm.s32 $0x1600;
	s20 =	simm.s32 $0x2F00  }
0x144: {  	[tilespmem:s20], [sflag:$0x1] =	stream.indirect.gather [hbm4b:s6+s7], $0x1, s19, s7, $0xb8;
	[tilespmem:$0x3200] =	vst v63  }
0x145: {  	s1 =	ssub.s32 s1, s28;
	s21 =	simm.s32 $0x1680;
	s22 =	simm.s32 $0x2F80  }
0x146: {  	[tilespmem:s22], [sflag:$0x1] =	stream.indirect.gather [hbm4b:s6+s7], $0x1, s21, s7, $0xb8;
	[tilespmem:$0x3200] =	vst v63  }
0x147: {  	s1 =	smax.u32 s1, $0x1;
	s23 =	simm.s32 $0x1700;
	s24 =	simm.s32 $0x3000  }
0x148: {  	[tilespmem:s24], [sflag:$0x1] =	stream.indirect.gather [hbm4b:s6+s7], $0x1, s23, s7, $0xb8;
	[tilespmem:$0x3200] =	vst v63  }
0x149: {  	p0 =	sne.s32 s1, $0x1;
	s25 =	simm.s32 $0x1780;
	s26 =	simm.s32 $0x3080  }
0x14a: {  	[tilespmem:s26], [sflag:$0x1] =	stream.indirect.gather [hbm4b:s6+s7], $0x1, s25, s7, $0xb8;
	[tilespmem:$0x3200] =	vst v63  }
.Ltmp0:
0x14b: {  	_ = 	snop;
	(pc) =	sbr.rel @!p0 .LBB2_2-.Ltmp0, $4  }
0x14c: {  	s29 =	simm.s32 $0x3100;
	s28 =	simm.s32 $0x1800  }
0x14d: {  	[tilespmem:s29], [sflag:$0x1] =	stream.indirect.gather [hbm4b:s6+s7], $0x1, s28, s7, $0xb8;
	[tilespmem:$0x3200] =	vst v63  }
0x14e: {  	s30 =	simm.s32 $0x1880;
	s31 =	simm.s32 $0x3180;
	s1 =	sadd.s32 $0xFFFFFFFF, s1  }
0x14f: {  	[tilespmem:s31], [sflag:$0x1] =	stream.indirect.gather [hbm4b:s6+s7], $0x1, s30, s7, $0xb8;
	[tilespmem:$0x3200] =	vst v63  }
.LBB2_1:
0x150: {  	_ =	swait.ge [sflag:s5], $0x80  }
0x151: {  	[sflag:s5] =	ssyncset.done $0x0  }
0x152: {  	[sflag:s5] =	ssyncadd.s32 $0xFFFFFF80  }
0x153: {  	_ =	swait.ge [sflag:s5], $0x80  }
0x154: {  	[sflag:s5] =	ssyncset.done $0x0  }
0x155: {  	[sflag:s5] =	ssyncadd.s32 $0xFFFFFF80  }
0x156: {  	_ =	swait.ge [sflag:s5], $0x80  }
0x157: {  	[sflag:s5] =	ssyncset.done $0x0  }
0x158: {  	[sflag:s5] =	ssyncadd.s32 $0xFFFFFF80  }
0x159: {  	_ =	swait.ge [sflag:s5], $0x80  }
0x15a: {  	[sflag:s5] =	ssyncset.done $0x0  }
0x15b: {  	[sflag:s5] =	ssyncadd.s32 $0xFFFFFF80  }
0x15c: {  	_ =	swait.ge [sflag:s5], $0x80  }
0x15d: {  	[sflag:s5] =	ssyncset.done $0x0  }
0x15e: {  	[sflag:s5] =	ssyncadd.s32 $0xFFFFFF80  }
0x15f: {  	_ =	swait.ge [sflag:s5], $0x80  }
0x160: {  	[sflag:s5] =	ssyncset.done $0x0  }
0x161: {  	[sflag:s5] =	ssyncadd.s32 $0xFFFFFF80  }
0x162: {  	_ =	swait.ge [sflag:s5], $0x80  }
0x163: {  	[sflag:s5] =	ssyncset.done $0x0  }
0x164: {  	[sflag:s5] =	ssyncadd.s32 $0xFFFFFF80  }
0x165: {  	_ =	swait.ge [sflag:s5], $0x80  }
0x166: {  	[sflag:s5] =	ssyncset.done $0x0  }
0x167: {  	[sflag:s5] =	ssyncadd.s32 $0xFFFFFF80  }
0x168: {  	_ =	swait.ge [sflag:s5], $0x80  }
0x169: {  	[sflag:s5] =	ssyncset.done $0x0  }
0x16a: {  	[sflag:s5] =	ssyncadd.s32 $0xFFFFFF80  }
0x16b: {  	_ =	swait.ge [sflag:s5], $0x80  }
0x16c: {  	[sflag:s5] =	ssyncset.done $0x0  }
0x16d: {  	s0 =	rddreg [dreg:$0x4];
	[sflag:s5] =	ssyncadd.s32 $0xFFFFFF80  }
0x16e: {  	[hbm4b:s0+s2] =	stream.linear.scatter [tilespmem:s4], [sflag:$0x2], $0x1900, $0x38;
	[tilespmem:$0x3200] =	vst v63  }
0x16f: {  	_ =	swait.ge [sflag:s3], $0x1900  }
0x170: {  	[sflag:s3] =	ssyncset.done $0x0  }
0x171: {  	s17 =	rddreg [dreg:$0x3];
	[sflag:s3] =	ssyncadd.s32 $0xFFFFE700  }
0x172: {  	[tilespmem:s2], [sflag:$0x2] =	stream.linear.gather [hbm4b:s17+s2], $0x1900, $0x38;
	[tilespmem:$0x3200] =	vst v63  }
0x173: {  	_ =	swait.ge [sflag:s3], $0x1900  }
0x174: {  	s18 =	rddreg [dreg:$0x8]  }
0x175: {  	s8 =	rddreg [dreg:$0x11]  }
0x176: {  	s9 =	rddreg [dreg:$0xb]  }
0x177: {  	s10 =	rddreg [dreg:$0x9]  }
0x178: {  	s11 =	rddreg [dreg:$0xd]  }
0x179: {  	s12 =	rddreg [dreg:$0x6]  }
0x17a: {  	[sflag:s3] =	ssyncset.done $0x0;
	s13 =	rddreg [dreg:$0x5]  }
0x17b: {  	s14 =	rddreg [dreg:$0x7];
	[sflag:s3] =	ssyncadd.s32 $0xFFFFE700  }
0x17c: {  	[tilespmem:s4], [sflag:$0x1] =	stream.indirect.gather [hbm4b:s6+s7], $0x1, s2, s7, $0xb8;
	[tilespmem:$0x3200] =	vst v63  }
0x17d: {  	s15 =	rddreg [dreg:$0xa]  }
0x17e: {  	[tilespmem:s13], [sflag:$0x1] =	stream.indirect.gather [hbm4b:s6+s7], $0x1, s7, s7, $0xb8;
	[tilespmem:$0x3200] =	vst v63  }
0x17f: {  	s16 =	rddreg [dreg:$0xc]  }
0x180: {  	[tilespmem:s14], [sflag:$0x1] =	stream.indirect.gather [hbm4b:s6+s7], $0x1, s12, s7, $0xb8;
	[tilespmem:$0x3200] =	vst v63  }
0x181: {  	s17 =	rddreg [dreg:$0xe]  }
0x182: {  	[tilespmem:s10], [sflag:$0x1] =	stream.indirect.gather [hbm4b:s6+s7], $0x1, s18, s7, $0xb8;
	[tilespmem:$0x3200] =	vst v63  }
0x183: {  	s13 =	rddreg [dreg:$0xf]  }
0x184: {  	[tilespmem:s9], [sflag:$0x1] =	stream.indirect.gather [hbm4b:s6+s7], $0x1, s15, s7, $0xb8;
	[tilespmem:$0x3200] =	vst v63  }
0x185: {  	s12 =	rddreg [dreg:$0x14]  }
0x186: {  	[tilespmem:s11], [sflag:$0x1] =	stream.indirect.gather [hbm4b:s6+s7], $0x1, s16, s7, $0xb8;
	[tilespmem:$0x3200] =	vst v63  }
0x187: {  	s18 =	rddreg [dreg:$0x10]  }
0x188: {  	[tilespmem:s13], [sflag:$0x1] =	stream.indirect.gather [hbm4b:s6+s7], $0x1, s17, s7, $0xb8;
	[tilespmem:$0x3200] =	vst v63  }
0x189: {  	s10 =	rddreg [dreg:$0x13]  }
0x18a: {  	[tilespmem:s8], [sflag:$0x1] =	stream.indirect.gather [hbm4b:s6+s7], $0x1, s18, s7, $0xb8;
	[tilespmem:$0x3200] =	vst v63  }
0x18b: {  	s11 =	rddreg [dreg:$0x12]  }
0x18c: {  	[tilespmem:s10], [sflag:$0x1] =	stream.indirect.gather [hbm4b:s6+s7], $0x1, s11, s7, $0xb8;
	[tilespmem:$0x3200] =	vst v63  }
0x18d: {  	s13 =	rddreg [dreg:$0x15]  }
0x18e: {  	[tilespmem:s13], [sflag:$0x1] =	stream.indirect.gather [hbm4b:s6+s7], $0x1, s12, s7, $0xb8;
	[tilespmem:$0x3200] =	vst v63  }
0x18f: {  	_ =	swait.ge [sflag:s5], $0x80  }
0x190: {  	[sflag:s5] =	ssyncset.done $0x0  }
0x191: {  	[sflag:s5] =	ssyncadd.s32 $0xFFFFFF80  }
0x192: {  	_ =	swait.ge [sflag:s5], $0x80  }
0x193: {  	[sflag:s5] =	ssyncset.done $0x0  }
0x194: {  	[sflag:s5] =	ssyncadd.s32 $0xFFFFFF80  }
0x195: {  	_ =	swait.ge [sflag:s5], $0x80  }
0x196: {  	[sflag:s5] =	ssyncset.done $0x0  }
0x197: {  	[sflag:s5] =	ssyncadd.s32 $0xFFFFFF80  }
0x198: {  	_ =	swait.ge [sflag:s5], $0x80  }
0x199: {  	[sflag:s5] =	ssyncset.done $0x0  }
0x19a: {  	[sflag:s5] =	ssyncadd.s32 $0xFFFFFF80  }
0x19b: {  	_ =	swait.ge [sflag:s5], $0x80  }
0x19c: {  	[sflag:s5] =	ssyncset.done $0x0  }
0x19d: {  	[sflag:s5] =	ssyncadd.s32 $0xFFFFFF80  }
0x19e: {  	_ =	swait.ge [sflag:s5], $0x80  }
0x19f: {  	[sflag:s5] =	ssyncset.done $0x0  }
0x1a0: {  	[sflag:s5] =	ssyncadd.s32 $0xFFFFFF80  }
0x1a1: {  	_ =	swait.ge [sflag:s5], $0x80  }
0x1a2: {  	[sflag:s5] =	ssyncset.done $0x0  }
0x1a3: {  	[sflag:s5] =	ssyncadd.s32 $0xFFFFFF80  }
0x1a4: {  	_ =	swait.ge [sflag:s5], $0x80  }
0x1a5: {  	[sflag:s5] =	ssyncset.done $0x0  }
0x1a6: {  	[sflag:s5] =	ssyncadd.s32 $0xFFFFFF80  }
0x1a7: {  	_ =	swait.ge [sflag:s5], $0x80  }
0x1a8: {  	[sflag:s5] =	ssyncset.done $0x0  }
0x1a9: {  	[sflag:s5] =	ssyncadd.s32 $0xFFFFFF80  }
0x1aa: {  	_ =	swait.ge [sflag:s5], $0x80  }
0x1ab: {  	s0 =	rddreg [dreg:$0x1e]  }
0x1ac: {  	s8 =	sld [smem:$0x7CF]  }
0x1ad: {  	s9 =	rddreg [dreg:$0x1c]  }
0x1ae: {  	s10 =	rddreg [dreg:$0x1b]  }
0x1af: {  	s11 =	rddreg [dreg:$0x1a]  }
0x1b0: {  	s12 =	rddreg [dreg:$0x19]  }
0x1b1: {  	s13 =	rddreg [dreg:$0x16]  }
0x1b2: {  	s14 =	rddreg [dreg:$0x18]  }
0x1b3: {  	s15 =	rddreg [dreg:$0x17]  }
0x1b4: {  	s16 =	rddreg [dreg:$0x1f]  }
0x1b5: {  	[sflag:s5] =	ssyncset.done $0x0;
	s17 =	rddreg [dreg:$0x1d]  }
0x1b6: {  	s18 =	sld [smem:$0x7D0];
	[sflag:s5] =	ssyncadd.s32 $0xFFFFFF80  }
0x1b7: {  	[tilespmem:s15], [sflag:$0x1] =	stream.indirect.gather [hbm4b:s6+s7], $0x1, s13, s7, $0xb8;
	[tilespmem:$0x3200] =	vst v63  }
0x1b8: {  	s13 =	sld [smem:$0x7D1]  }
0x1b9: {  	[tilespmem:s12], [sflag:$0x1] =	stream.indirect.gather [hbm4b:s6+s7], $0x1, s14, s7, $0xb8;
	[tilespmem:$0x3200] =	vst v63  }
0x1ba: {  	s15 =	sld [smem:$0x7D4]  }
0x1bb: {  	[tilespmem:s10], [sflag:$0x1] =	stream.indirect.gather [hbm4b:s6+s7], $0x1, s11, s7, $0xb8;
	[tilespmem:$0x3200] =	vst v63  }
0x1bc: {  	s14 =	sld [smem:$0x7D2]  }
0x1bd: {  	[tilespmem:s17], [sflag:$0x1] =	stream.indirect.gather [hbm4b:s6+s7], $0x1, s9, s7, $0xb8;
	[tilespmem:$0x3200] =	vst v63  }
0x1be: {  	s10 =	sld [smem:$0x7D3]  }
0x1bf: {  	[tilespmem:s16], [sflag:$0x1] =	stream.indirect.gather [hbm4b:s6+s7], $0x1, s0, s7, $0xb8;
	[tilespmem:$0x3200] =	vst v63  }
0x1c0: {  	s17 =	sld [smem:$0x7D5]  }
0x1c1: {  	[tilespmem:s18], [sflag:$0x1] =	stream.indirect.gather [hbm4b:s6+s7], $0x1, s8, s7, $0xb8;
	[tilespmem:$0x3200] =	vst v63  }
0x1c2: {  	s18 =	sld [smem:$0x7D6]  }
0x1c3: {  	[tilespmem:s15], [sflag:$0x1] =	stream.indirect.gather [hbm4b:s6+s7], $0x1, s17, s7, $0xb8;
	[tilespmem:$0x3200] =	vst v63  }
0x1c4: {  	s11 =	sld [smem:$0x7D7]  }
0x1c5: {  	[tilespmem:s14], [sflag:$0x1] =	stream.indirect.gather [hbm4b:s6+s7], $0x1, s18, s7, $0xb8;
	[tilespmem:$0x3200] =	vst v63  }
0x1c6: {  	s14 =	sld [smem:$0x7D8]  }
0x1c7: {  	[tilespmem:s10], [sflag:$0x1] =	stream.indirect.gather [hbm4b:s6+s7], $0x1, s13, s7, $0xb8;
	[tilespmem:$0x3200] =	vst v63  }
0x1c8: {  	_ = 	snop  }
0x1c9: {  	[tilespmem:s11], [sflag:$0x1] =	stream.indirect.gather [hbm4b:s6+s7], $0x1, s14, s7, $0xb8;
	[tilespmem:$0x3200] =	vst v63  }
0x1ca: {  	_ =	swait.ge [sflag:s5], $0x80  }
0x1cb: {  	[sflag:s5] =	ssyncset.done $0x0  }
0x1cc: {  	[sflag:s5] =	ssyncadd.s32 $0xFFFFFF80  }
0x1cd: {  	_ =	swait.ge [sflag:s5], $0x80  }
0x1ce: {  	[sflag:s5] =	ssyncset.done $0x0  }
0x1cf: {  	[sflag:s5] =	ssyncadd.s32 $0xFFFFFF80  }
0x1d0: {  	_ =	swait.ge [sflag:s5], $0x80  }
0x1d1: {  	[sflag:s5] =	ssyncset.done $0x0  }
0x1d2: {  	[sflag:s5] =	ssyncadd.s32 $0xFFFFFF80  }
0x1d3: {  	_ =	swait.ge [sflag:s5], $0x80  }
0x1d4: {  	[sflag:s5] =	ssyncset.done $0x0  }
0x1d5: {  	[sflag:s5] =	ssyncadd.s32 $0xFFFFFF80  }
0x1d6: {  	_ =	swait.ge [sflag:s5], $0x80  }
0x1d7: {  	[sflag:s5] =	ssyncset.done $0x0  }
0x1d8: {  	[sflag:s5] =	ssyncadd.s32 $0xFFFFFF80  }
0x1d9: {  	_ =	swait.ge [sflag:s5], $0x80  }
0x1da: {  	[sflag:s5] =	ssyncset.done $0x0  }
0x1db: {  	[sflag:s5] =	ssyncadd.s32 $0xFFFFFF80  }
0x1dc: {  	_ =	swait.ge [sflag:s5], $0x80  }
0x1dd: {  	[sflag:s5] =	ssyncset.done $0x0  }
0x1de: {  	[sflag:s5] =	ssyncadd.s32 $0xFFFFFF80  }
0x1df: {  	_ =	swait.ge [sflag:s5], $0x80  }
0x1e0: {  	[sflag:s5] =	ssyncset.done $0x0  }
0x1e1: {  	[sflag:s5] =	ssyncadd.s32 $0xFFFFFF80  }
0x1e2: {  	_ =	swait.ge [sflag:s5], $0x80  }
0x1e3: {  	[sflag:s5] =	ssyncset.done $0x0  }
0x1e4: {  	[sflag:s5] =	ssyncadd.s32 $0xFFFFFF80  }
0x1e5: {  	_ =	swait.ge [sflag:s5], $0x80  }
0x1e6: {  	s0 =	sld [smem:$0x7D9]  }
0x1e7: {  	s8 =	sld [smem:$0x7DA]  }
0x1e8: {  	s9 =	sld [smem:$0x7DB]  }
0x1e9: {  	s10 =	sld [smem:$0x7DC]  }
0x1ea: {  	s11 =	sld [smem:$0x7DD]  }
0x1eb: {  	s12 =	sld [smem:$0x7DE]  }
0x1ec: {  	s13 =	sld [smem:$0x7DF]  }
0x1ed: {  	s14 =	sld [smem:$0x7E0]  }
0x1ee: {  	s15 =	sld [smem:$0x7E1]  }
0x1ef: {  	s16 =	sld [smem:$0x7E2]  }
0x1f0: {  	[sflag:s5] =	ssyncset.done $0x0;
	s17 =	sld [smem:$0x7E3]  }
0x1f1: {  	s18 =	sld [smem:$0x7E4];
	[sflag:s5] =	ssyncadd.s32 $0xFFFFFF80  }
0x1f2: {  	[tilespmem:s14], [sflag:$0x1] =	stream.indirect.gather [hbm4b:s6+s7], $0x1, s15, s7, $0xb8;
	[tilespmem:$0x3200] =	vst v63  }
0x1f3: {  	s14 =	sld [smem:$0x7E5]  }
0x1f4: {  	[tilespmem:s13], [sflag:$0x1] =	stream.indirect.gather [hbm4b:s6+s7], $0x1, s10, s7, $0xb8;
	[tilespmem:$0x3200] =	vst v63  }
0x1f5: {  	s15 =	sld [smem:$0x7E6]  }
0x1f6: {  	[tilespmem:s17], [sflag:$0x1] =	stream.indirect.gather [hbm4b:s6+s7], $0x1, s16, s7, $0xb8;
	[tilespmem:$0x3200] =	vst v63  }
0x1f7: {  	s10 =	sld [smem:$0x7EA]  }
0x1f8: {  	[tilespmem:s0], [sflag:$0x1] =	stream.indirect.gather [hbm4b:s6+s7], $0x1, s11, s7, $0xb8;
	[tilespmem:$0x3200] =	vst v63  }
0x1f9: {  	s16 =	sld [smem:$0x7E7]  }
0x1fa: {  	[tilespmem:s18], [sflag:$0x1] =	stream.indirect.gather [hbm4b:s6+s7], $0x1, s14, s7, $0xb8;
	[tilespmem:$0x3200] =	vst v63  }
0x1fb: {  	s17 =	sld [smem:$0x7E8]  }
0x1fc: {  	[tilespmem:s9], [sflag:$0x1] =	stream.indirect.gather [hbm4b:s6+s7], $0x1, s15, s7, $0xb8;
	[tilespmem:$0x3200] =	vst v63  }
0x1fd: {  	s18 =	sld [smem:$0x7E9]  }
0x1fe: {  	[tilespmem:s12], [sflag:$0x1] =	stream.indirect.gather [hbm4b:s6+s7], $0x1, s16, s7, $0xb8;
	[tilespmem:$0x3200] =	vst v63  }
0x1ff: {  	s13 =	sld [smem:$0x7EB]  }
0x200: {  	[tilespmem:s17], [sflag:$0x1] =	stream.indirect.gather [hbm4b:s6+s7], $0x1, s18, s7, $0xb8;
	[tilespmem:$0x3200] =	vst v63  }
0x201: {  	s14 =	sld [smem:$0x7EC]  }
0x202: {  	[tilespmem:s8], [sflag:$0x1] =	stream.indirect.gather [hbm4b:s6+s7], $0x1, s10, s7, $0xb8;
	[tilespmem:$0x3200] =	vst v63  }
0x203: {  	_ = 	snop  }
0x204: {  	[tilespmem:s13], [sflag:$0x1] =	stream.indirect.gather [hbm4b:s6+s7], $0x1, s14, s7, $0xb8;
	[tilespmem:$0x3200] =	vst v63  }
0x205: {  	_ =	swait.ge [sflag:s5], $0x80  }
0x206: {  	[sflag:s5] =	ssyncset.done $0x0  }
0x207: {  	[sflag:s5] =	ssyncadd.s32 $0xFFFFFF80  }
0x208: {  	_ =	swait.ge [sflag:s5], $0x80  }
0x209: {  	[sflag:s5] =	ssyncset.done $0x0  }
0x20a: {  	[sflag:s5] =	ssyncadd.s32 $0xFFFFFF80  }
0x20b: {  	_ =	swait.ge [sflag:s5], $0x80  }
0x20c: {  	[sflag:s5] =	ssyncset.done $0x0  }
0x20d: {  	[sflag:s5] =	ssyncadd.s32 $0xFFFFFF80  }
0x20e: {  	_ =	swait.ge [sflag:s5], $0x80  }
0x20f: {  	[sflag:s5] =	ssyncset.done $0x0  }
0x210: {  	[sflag:s5] =	ssyncadd.s32 $0xFFFFFF80  }
0x211: {  	_ =	swait.ge [sflag:s5], $0x80  }
0x212: {  	[sflag:s5] =	ssyncset.done $0x0  }
0x213: {  	[sflag:s5] =	ssyncadd.s32 $0xFFFFFF80  }
0x214: {  	_ =	swait.ge [sflag:s5], $0x80  }
0x215: {  	[sflag:s5] =	ssyncset.done $0x0  }
0x216: {  	[sflag:s5] =	ssyncadd.s32 $0xFFFFFF80  }
0x217: {  	_ =	swait.ge [sflag:s5], $0x80  }
0x218: {  	[sflag:s5] =	ssyncset.done $0x0  }
0x219: {  	[sflag:s5] =	ssyncadd.s32 $0xFFFFFF80  }
0x21a: {  	_ =	swait.ge [sflag:s5], $0x80  }
0x21b: {  	[sflag:s5] =	ssyncset.done $0x0  }
0x21c: {  	[sflag:s5] =	ssyncadd.s32 $0xFFFFFF80  }
0x21d: {  	_ =	swait.ge [sflag:s5], $0x80  }
0x21e: {  	[sflag:s5] =	ssyncset.done $0x0  }
0x21f: {  	[sflag:s5] =	ssyncadd.s32 $0xFFFFFF80  }
0x220: {  	_ =	swait.ge [sflag:s5], $0x80  }
0x221: {  	s8 =	sld [smem:$0x7ED]  }
0x222: {  	s9 =	sld [smem:$0x7EE]  }
0x223: {  	s10 =	sld [smem:$0x7EF]  }
0x224: {  	s11 =	sld [smem:$0x7F0]  }
0x225: {  	s15 =	sld [smem:$0x7F1]  }
0x226: {  	s13 =	sld [smem:$0x7F2]  }
0x227: {  	s14 =	sld [smem:$0x7F3]  }
0x228: {  	s18 =	sld [smem:$0x7F4]  }
0x229: {  	[sflag:s5] =	ssyncset.done $0x0;
	s16 =	sld [smem:$0x7F5]  }
0x22a: {  	s17 =	sld [smem:$0x7F6];
	[sflag:s5] =	ssyncadd.s32 $0xFFFFFF80  }
0x22b: {  	[tilespmem:s15], [sflag:$0x1] =	stream.indirect.gather [hbm4b:s6+s7], $0x1, s18, s7, $0xb8;
	[tilespmem:$0x3200] =	vst v63  }
0x22c: {  	s15 =	sld [smem:$0x7F7]  }
0x22d: {  	[tilespmem:s11], [sflag:$0x1] =	stream.indirect.gather [hbm4b:s6+s7], $0x1, s13, s7, $0xb8;
	[tilespmem:$0x3200] =	vst v63  }
0x22e: {  	s18 =	sld [smem:$0x7F8]  }
0x22f: {  	[tilespmem:s14], [sflag:$0x1] =	stream.indirect.gather [hbm4b:s6+s7], $0x1, s9, s7, $0xb8;
	[tilespmem:$0x3200] =	vst v63  }
0x230: {  	s13 =	sld [smem:$0x7F9]  }
0x231: {  	[tilespmem:s15], [sflag:$0x1] =	stream.indirect.gather [hbm4b:s6+s7], $0x1, s18, s7, $0xb8;
	[tilespmem:$0x3200] =	vst v63  }
0x232: {  	s14 =	sld [smem:$0x7FA]  }
0x233: {  	[tilespmem:s10], [sflag:$0x1] =	stream.indirect.gather [hbm4b:s6+s7], $0x1, s13, s7, $0xb8;
	[tilespmem:$0x3200] =	vst v63  }
0x234: {  	s15 =	sld [smem:$0x7FB]  }
0x235: {  	[tilespmem:s17], [sflag:$0x1] =	stream.indirect.gather [hbm4b:s6+s7], $0x1, s14, s7, $0xb8;
	[tilespmem:$0x3200] =	vst v63  }
0x236: {  	s17 =	sld [smem:$0x7FC]  }
0x237: {  	[tilespmem:s16], [sflag:$0x1] =	stream.indirect.gather [hbm4b:s6+s7], $0x1, s15, s7, $0xb8;
	[tilespmem:$0x3200] =	vst v63  }
0x238: {  	s0 =	sld [smem:$0x7FD]  }
0x239: {  	[tilespmem:s8], [sflag:$0x1] =	stream.indirect.gather [hbm4b:s6+s7], $0x1, s17, s7, $0xb8;
	[tilespmem:$0x3200] =	vst v63  }
0x23a: {  	s18 =	simm.s32 $0x2C00  }
0x23b: {  	[tilespmem:s18], [sflag:$0x1] =	stream.indirect.gather [hbm4b:s6+s7], $0x1, s0, s7, $0xb8;
	[tilespmem:$0x3200] =	vst v63  }
0x23c: {  	s9 =	simm.s32 $0x1380;
	s10 =	simm.s32 $0x2C80  }
0x23d: {  	[tilespmem:s10], [sflag:$0x1] =	stream.indirect.gather [hbm4b:s6+s7], $0x1, s9, s7, $0xb8;
	[tilespmem:$0x3200] =	vst v63  }
0x23e: {  	_ =	swait.ge [sflag:s5], $0x80  }
0x23f: {  	[sflag:s5] =	ssyncset.done $0x0  }
0x240: {  	[sflag:s5] =	ssyncadd.s32 $0xFFFFFF80  }
0x241: {  	_ =	swait.ge [sflag:s5], $0x80  }
0x242: {  	[sflag:s5] =	ssyncset.done $0x0  }
0x243: {  	[sflag:s5] =	ssyncadd.s32 $0xFFFFFF80  }
0x244: {  	_ =	swait.ge [sflag:s5], $0x80  }
0x245: {  	[sflag:s5] =	ssyncset.done $0x0  }
0x246: {  	[sflag:s5] =	ssyncadd.s32 $0xFFFFFF80  }
0x247: {  	_ =	swait.ge [sflag:s5], $0x80  }
0x248: {  	[sflag:s5] =	ssyncset.done $0x0  }
0x249: {  	[sflag:s5] =	ssyncadd.s32 $0xFFFFFF80  }
0x24a: {  	_ =	swait.ge [sflag:s5], $0x80  }
0x24b: {  	[sflag:s5] =	ssyncset.done $0x0  }
0x24c: {  	[sflag:s5] =	ssyncadd.s32 $0xFFFFFF80  }
0x24d: {  	_ =	swait.ge [sflag:s5], $0x80  }
0x24e: {  	[sflag:s5] =	ssyncset.done $0x0  }
0x24f: {  	[sflag:s5] =	ssyncadd.s32 $0xFFFFFF80  }
0x250: {  	_ =	swait.ge [sflag:s5], $0x80  }
0x251: {  	[sflag:s5] =	ssyncset.done $0x0  }
0x252: {  	[sflag:s5] =	ssyncadd.s32 $0xFFFFFF80  }
0x253: {  	_ =	swait.ge [sflag:s5], $0x80  }
0x254: {  	[sflag:s5] =	ssyncset.done $0x0  }
0x255: {  	[sflag:s5] =	ssyncadd.s32 $0xFFFFFF80  }
0x256: {  	_ =	swait.ge [sflag:s5], $0x80  }
0x257: {  	[sflag:s5] =	ssyncset.done $0x0  }
0x258: {  	[sflag:s5] =	ssyncadd.s32 $0xFFFFFF80  }
0x259: {  	_ =	swait.ge [sflag:s5], $0x80  }
0x25a: {  	[sflag:s5] =	ssyncset.done $0x0  }
0x25b: {  	s12 =	simm.s32 $0x2D00;
	s11 =	simm.s32 $0x1400;
	[sflag:s5] =	ssyncadd.s32 $0xFFFFFF80  }
0x25c: {  	[tilespmem:s12], [sflag:$0x1] =	stream.indirect.gather [hbm4b:s6+s7], $0x1, s11, s7, $0xb8;
	[tilespmem:$0x3200] =	vst v63  }
0x25d: {  	s13 =	simm.s32 $0x1480;
	s14 =	simm.s32 $0x2D80  }
0x25e: {  	[tilespmem:s14], [sflag:$0x1] =	stream.indirect.gather [hbm4b:s6+s7], $0x1, s13, s7, $0xb8;
	[tilespmem:$0x3200] =	vst v63  }
0x25f: {  	s15 =	simm.s32 $0x1500;
	s16 =	simm.s32 $0x2E00  }
0x260: {  	[tilespmem:s16], [sflag:$0x1] =	stream.indirect.gather [hbm4b:s6+s7], $0x1, s15, s7, $0xb8;
	[tilespmem:$0x3200] =	vst v63  }
0x261: {  	s17 =	simm.s32 $0x1580;
	s18 =	simm.s32 $0x2E80  }
0x262: {  	[tilespmem:s18], [sflag:$0x1] =	stream.indirect.gather [hbm4b:s6+s7], $0x1, s17, s7, $0xb8;
	[tilespmem:$0x3200] =	vst v63  }
0x263: {  	_ = 	snop  }
0x264: {  	[tilespmem:s20], [sflag:$0x1] =	stream.indirect.gather [hbm4b:s6+s7], $0x1, s19, s7, $0xb8;
	[tilespmem:$0x3200] =	vst v63  }
0x265: {  	_ = 	snop  }
0x266: {  	[tilespmem:s22], [sflag:$0x1] =	stream.indirect.gather [hbm4b:s6+s7], $0x1, s21, s7, $0xb8;
	[tilespmem:$0x3200] =	vst v63  }
0x267: {  	_ = 	snop  }
0x268: {  	[tilespmem:s24], [sflag:$0x1] =	stream.indirect.gather [hbm4b:s6+s7], $0x1, s23, s7, $0xb8;
	[tilespmem:$0x3200] =	vst v63  }
0x269: {  	p0 =	sne.s32 s1, $0x1  }
0x26a: {  	[tilespmem:s26], [sflag:$0x1] =	stream.indirect.gather [hbm4b:s6+s7], $0x1, s25, s7, $0xb8;
	[tilespmem:$0x3200] =	vst v63  }
.Ltmp1:
0x26b: {  	_ = 	snop;
	(pc) =	sbr.rel @p0 .LBB2_1-.Ltmp1, $4  }
0x26c: {  	_ = 	snop  }
0x26d: {  	[tilespmem:s29], [sflag:$0x1] =	stream.indirect.gather [hbm4b:s6+s7], $0x1, s28, s7, $0xb8;
	[tilespmem:$0x3200] =	vst v63  }
0x26e: {  	s1 =	sadd.s32 $0xFFFFFFFF, s1  }
0x26f: {  	[tilespmem:s31], [sflag:$0x1] =	stream.indirect.gather [hbm4b:s6+s7], $0x1, s30, s7, $0xb8;
	[tilespmem:$0x3200] =	vst v63  }
.LBB2_2:
0x270: {  	_ =	swait.ge [sflag:s5], $0x80  }
0x271: {  	[sflag:s5] =	ssyncset.done $0x0  }
0x272: {  	[sflag:s5] =	ssyncadd.s32 $0xFFFFFF80  }
0x273: {  	_ =	swait.ge [sflag:s5], $0x80  }
0x274: {  	[sflag:s5] =	ssyncset.done $0x0  }
0x275: {  	[sflag:s5] =	ssyncadd.s32 $0xFFFFFF80  }
0x276: {  	_ =	swait.ge [sflag:s5], $0x80  }
0x277: {  	[sflag:s5] =	ssyncset.done $0x0  }
0x278: {  	[sflag:s5] =	ssyncadd.s32 $0xFFFFFF80  }
0x279: {  	_ =	swait.ge [sflag:s5], $0x80  }
0x27a: {  	[sflag:s5] =	ssyncset.done $0x0  }
0x27b: {  	[sflag:s5] =	ssyncadd.s32 $0xFFFFFF80  }
0x27c: {  	_ =	swait.ge [sflag:s5], $0x80  }
0x27d: {  	[sflag:s5] =	ssyncset.done $0x0  }
0x27e: {  	[sflag:s5] =	ssyncadd.s32 $0xFFFFFF80  }
0x27f: {  	_ =	swait.ge [sflag:s5], $0x80  }
0x280: {  	[sflag:s5] =	ssyncset.done $0x0  }
0x281: {  	[sflag:s5] =	ssyncadd.s32 $0xFFFFFF80  }
0x282: {  	_ =	swait.ge [sflag:s5], $0x80  }
0x283: {  	[sflag:s5] =	ssyncset.done $0x0  }
0x284: {  	[sflag:s5] =	ssyncadd.s32 $0xFFFFFF80  }
0x285: {  	_ =	swait.ge [sflag:s5], $0x80  }
0x286: {  	[sflag:s5] =	ssyncset.done $0x0  }
0x287: {  	[sflag:s5] =	ssyncadd.s32 $0xFFFFFF80  }
0x288: {  	_ =	swait.ge [sflag:s5], $0x80  }
0x289: {  	[sflag:s5] =	ssyncset.done $0x0  }
0x28a: {  	[sflag:s5] =	ssyncadd.s32 $0xFFFFFF80  }
0x28b: {  	_ =	swait.ge [sflag:s5], $0x80  }
0x28c: {  	[sflag:s5] =	ssyncset.done $0x0  }
0x28d: {  	s0 =	rddreg [dreg:$0x4];
	[sflag:s5] =	ssyncadd.s32 $0xFFFFFF80  }
0x28e: {  	[hbm4b:s0+s2] =	stream.linear.scatter [tilespmem:s4], [sflag:$0x2], $0x1900, $0x38;
	[tilespmem:$0x3200] =	vst v63  }
0x28f: {  	_ =	swait.ge [sflag:s3], $0x1900  }
0x290: {  	[sflag:s3] =	ssyncset.done $0x0  }
0x291: {  	[sflag:s3] =	ssyncadd.s32 $0xFFFFE700  }
0x292: {  	_ =	sfence.sel $0x180000  }
0x293: {  	[bflag:$0x0] =	sbarrier.arrive $0xFFFF  }
0x294: {  	_ =	strace $0x9000004A  }
0x295: {  	s31 =	stileid.u32;
	[bflag:$0x2] =	sbarrier.arrive $0xFFFF  }
0x296: {  	p0 =	sne.s32 s31, $0x0;
	s0 =	rddreg [dreg:$0x2]  }
0x297: {  	s0 =	sadd.s32 @!p0 $0x100000, s0  }
0x298: {  	[sflag:s0] =	ssyncadd.tile.s32 @!p0 $0x1;
	_ =	shalt  }
.Lfunc_end2:
_tile_overlayer_lowered:
.L_overlay_start_2:
0x299: {  	(tag) =	ssettag $0x2  }
0x29a: {  	s0 =	rddreg [dreg:$0x0];
	s2 =	stileid.u32  }
0x29b: {  	s1 =	rddreg [dreg:$0x1];
	p0 =	sne.s32 s2, $0x0  }
0x29c: {  	s3 =	rddreg [dreg:$0x2];
	[bflag:$0x3] =	sbarrier.arrive $0xFFFF;
	s2 =	simm.s32 @!p0 $0x1C02  }
0x29d: {  	[timem:s3], [sflag:s2] =	dma.local @!p0 [hbm:s0], s1  }
0x29e: {  	s0 =	simm.s32 @!p0 $0x2  }
0x29f: {  	_ =	swait.ge @!p0 [sflag:s0], s1  }
0x2a0: {  	s1 =	ssub.s32 @!p0 $0x0, s1;
	[sflag:s0] =	ssyncset.done @!p0 $0x0  }
0x2a1: {  	[sflag:s0] =	ssyncadd.s32 @!p0 s1  }
0x2a2: {  	[bflag:$0x3] =	sbarrier.arrive $0xFFFF  }
0x2a3: {  	_ =	shalt  }

// kernel: kernel.7.cloned.1.call-start
scs
__scs_entry_jumppad:
0x0: {  	(pc) =	sbr.rel $0x88, $3  }
0x1: {  	(tag) =	ssettag $0x0;
	lr =	simm.s32 $0x1  }
0x2: {  	[smem:$0x3F96] =	sst lr;
	_ =	strace $0xD0000000  }
0x3: {  	_ = 	snop  }
0x4: {  	_ = 	snop  }
0x5: {  	_ = 	snop  }
0x6: {  	_ = 	snop  }
0x7: {  	_ = 	snop  }
__scs_overlays_trampoline_lowered:
0x8: {  	[smem:$0x3FA5] =	sst s0  }
0x9: {  	[smem:$0x3FA6] =	sst s1  }
0xa: {  	[smem:$0x3FA7] =	sst s2  }
0xb: {  	[smem:$0x3FA8] =	sst s3  }
0xc: {  	[smem:$0x3FA9] =	sst s4  }
0xd: {  	[smem:$0x3FAA] =	sst s5  }
0xe: {  	[smem:$0x3FAB] =	sst s6  }
0xf: {  	[smem:$0x3FAC] =	sst s7  }
0x10: {  	[smem:$0x3FAD] =	sst s8  }
0x11: {  	[smem:$0x3FAE] =	sst s9;
	s0 =	simm.s32 @!p0 $0x0  }
0x12: {  	s1 =	sld [smem:$0x3F94];
	s0 =	simm.s32 @p0 $0x1  }
0x13: {  	[smem:$0x3FAF] =	sst s0;
	s0 =	simm.s32 @!p1 $0x0  }
0x14: {  	s2 =	sld [smem:$0x3F93];
	s0 =	simm.s32 @p1 $0x1  }
0x15: {  	[smem:$0x3FB0] =	sst s0;
	s0 =	simm.s32 @!p2 $0x0  }
0x16: {  	s3 =	sld [smem:$0x3FDB];
	s0 =	simm.s32 @p2 $0x1  }
0x17: {  	s4 =	simm.s32 $0x1BF5;
	[smem:$0x3FB2] =	sst s0  }
0x18: {  	s0 =	sld [smem:$0x3F95];
	_ =	swait.ge [sflag:s4], $0x0  }
0x19: {  	s7 =	sld [smem:$0x3F96]  }
0x1a: {  	s8 =	sadd.s32 $0xFFFFE003, lr  }
0x1b: {  	s9 =	sadd.s32 $0xFFFFFEF7, lr;
	s5 =	simm.s32 $0xFFFFFFFF;
	p2 =	slt.u32 s8, $0xFFFFF086  }
0x1c: {  	p1 =	slt.u32 s9, $0xF7A;
	s5 =	simm.s32 @!p2 $0x0  }
0x1d: {  	s5 =	simm.s32 @p1 $0x1;
	p0 =	seq.s32 s7, s2  }
0x1e: {  	s7 =	smul.u32 @!p0 $0xF7A, s2;
	p2 =	seq.s32 @!p0 s5, $0x0  }
0x1f: {  	s9 =	smul.u32 $0xF7A, s1;
	s8 =	simm.s32 @!p0 $0x1BF5;
	p2 =	por !p2, p0  }
0x20: {  	[sflag:s8] =	ssyncset.s32 @!p0 $0xFFFFF086;
	s6 =	sadd.s32 @!p0 s3, s7;
	s7 =	simm.s32 @!p0 $0x108  }
0x21: {  	s3 =	sadd.s32 s3, s9;
	s6 =	sadd.s32 @!p0 $0x88, s6;
	s7 =	simm.s32 @p2 $0x1082  }
0x22: {  	[simem:s7], [sflag:s8] =	dma.local @!p0 [hbm:s6], $0xF7A  }
0x23: {  	s9 =	sor.u32 $0xD0000000, s2;
	s6 =	simm.s32 $0x108;
	_ =	swait.ge @!p0 [sflag:s8], $0x0  }
0x24: {  	s3 =	sadd.s32 $0x88, s3;
	s6 =	simm.s32 @!p1 $0x1082;
	[sflag:s4] =	ssyncset.s32 $0xFFFFF086  }
0x25: {  	[simem:s6], [sflag:s4] =	dma.local [hbm:s3], $0xF7A  }
0x26: {  	[smem:$0x3F96] =	sst s1;
	(tag) =	ssettag s2;
	_ =	strace s9  }
0x27: {  	s1 =	sld [smem:$0x3FA6]  }
0x28: {  	s2 =	sld [smem:$0x3FA7]  }
0x29: {  	s4 =	sld [smem:$0x3FA9]  }
0x2a: {  	p0 =	seq.s32 s5, $0x0;
	s5 =	sld [smem:$0x3FAA]  }
0x2b: {  	s6 =	sld [smem:$0x3FAB]  }
0x2c: {  	s7 =	sld [smem:$0x3FAC]  }
0x2d: {  	s3 =	simm.s32 $0x108;
	s8 =	sld [smem:$0x3FAD]  }
0x2e: {  	s3 =	simm.s32 @!p0 $0x1082;
	s9 =	sld [smem:$0x3FAE]  }
0x2f: {  	lr =	sadd.s32 s0, s3;
	s0 =	sld [smem:$0x3FA5]  }
0x30: {  	s3 =	sld [smem:$0x3FA8]  }
0x31: {  	[smem:$0x3FB1] =	sst s10  }
0x32: {  	s10 =	sld [smem:$0x3FAF];
	_ =	sdelay $0x3  }
0x33: {  	p0 =	seq.s32 s10, $0x1;
	s10 =	sld [smem:$0x3FB1];
	_ =	sdelay $0x3  }
0x34: {  	[smem:$0x3FB1] =	sst s10  }
0x35: {  	s10 =	sld [smem:$0x3FB0];
	_ =	sdelay $0x3  }
0x36: {  	p1 =	seq.s32 s10, $0x1;
	s10 =	sld [smem:$0x3FB1];
	_ =	sdelay $0x3  }
0x37: {  	[smem:$0x3FB1] =	sst s10  }
0x38: {  	s10 =	sld [smem:$0x3FB2]  }
0x39: {  	_ = 	snop;
	(pc) =	sbr.ind lr, $3  }
0x3a: {  	_ = 	snop  }
0x3b: {  	_ = 	snop  }
0x3c: {  	p2 =	seq.s32 s10, $0x1;
	s10 =	sld [smem:$0x3FB1]  }
0x3d: {  	_ =	shalt  }
0x3e: {  	_ =	shalt  }
0x3f: {  	_ =	shalt  }
0x40: {  	_ =	shalt  }
0x41: {  	_ =	shalt  }
0x42: {  	_ =	shalt  }
0x43: {  	_ =	shalt  }
0x44: {  	_ =	shalt  }
0x45: {  	_ =	shalt  }
0x46: {  	_ =	shalt  }
0x47: {  	_ =	shalt  }
0x48: {  	_ =	shalt  }
0x49: {  	_ =	shalt  }
0x4a: {  	_ =	shalt  }
0x4b: {  	_ =	shalt  }
0x4c: {  	_ =	shalt  }
0x4d: {  	_ =	shalt  }
0x4e: {  	_ =	shalt  }
0x4f: {  	_ =	shalt  }
0x50: {  	_ =	shalt  }
0x51: {  	_ =	shalt  }
0x52: {  	_ =	shalt  }
0x53: {  	_ =	shalt  }
0x54: {  	_ =	shalt  }
0x55: {  	_ =	shalt  }
0x56: {  	_ =	shalt  }
0x57: {  	_ =	shalt  }
0x58: {  	_ =	shalt  }
0x59: {  	_ =	shalt  }
0x5a: {  	_ =	shalt  }
0x5b: {  	_ =	shalt  }
0x5c: {  	_ =	shalt  }
0x5d: {  	_ =	shalt  }
0x5e: {  	_ =	shalt  }
0x5f: {  	_ =	shalt  }
0x60: {  	_ =	shalt  }
0x61: {  	_ =	shalt  }
0x62: {  	_ =	shalt  }
0x63: {  	_ =	shalt  }
0x64: {  	_ =	shalt  }
0x65: {  	_ =	shalt  }
0x66: {  	_ =	shalt  }
0x67: {  	_ =	shalt  }
0x68: {  	_ =	shalt  }
0x69: {  	_ =	shalt  }
0x6a: {  	_ =	shalt  }
0x6b: {  	_ =	shalt  }
0x6c: {  	_ =	shalt  }
0x6d: {  	_ =	shalt  }
0x6e: {  	_ =	shalt  }
0x6f: {  	_ =	shalt  }
0x70: {  	_ =	shalt  }
0x71: {  	_ =	shalt  }
0x72: {  	_ =	shalt  }
0x73: {  	_ =	shalt  }
0x74: {  	_ =	shalt  }
0x75: {  	_ =	shalt  }
0x76: {  	_ =	shalt  }
0x77: {  	_ =	shalt  }
0x78: {  	_ =	shalt  }
0x79: {  	_ =	shalt  }
0x7a: {  	_ =	shalt  }
0x7b: {  	_ =	shalt  }
0x7c: {  	_ =	shalt  }
0x7d: {  	_ =	shalt  }
0x7e: {  	_ =	shalt  }
0x7f: {  	_ =	shalt  }
0x80: {  	_ =	shalt  }
0x81: {  	_ =	shalt  }
0x82: {  	_ =	shalt  }
0x83: {  	_ =	shalt  }
0x84: {  	_ =	shalt  }
0x85: {  	_ =	shalt  }
0x86: {  	_ =	shalt  }
0x87: {  	_ =	shalt  }
.Lfunc_end0:
.L_simem_size_0:
called_computation_lowered:
.L_overlay_start_0:
0x88: {  	s2 =	sld [smem:$0x3FD9]  }
0x89: {  	s3 =	sld [smem:$0x3FFE];
	_ =	sdelay $0x1  }
0x8a: {  	s1 =	srdreg.scid  }
0x8b: {  	s0 =	sand.u32 $0x1, s1  }
0x8c: {  	s17 =	sshll.u32 s0, $0xA;
	s2 =	sadd.s32 s3, s2  }
0x8d: {  	s2 =	sadd.s32 s2, s17  }
0x8e: {  	[smem:$0x3FBD] =	sst s2  }
0x8f: {  	_ = 	snop  }
0x90: {  	s2 =	sld [smem:$0x3FD0];
	(tm) =	ssettm $0x1  }
0x91: {  	s18 =	sld [smem:$0x3FFB];
	_ =	sdelay $0x3  }
0x92: {  	_ =	strace s18  }
0x93: {  	s3 =	sld [smem:$0x3FFC];
	_ =	sdelay $0x3  }
0x94: {  	_ =	strace s3  }
0x95: {  	s3 =	sld [smem:$0x3FFD];
	_ =	sdelay $0x3  }
0x96: {  	_ =	strace s3  }
0x97: {  	_ =	strace $0x8FFFFFFF  }
0x98: {  	s19 =	sld [smem:$0x3FDB];
	_ =	sdelay $0x1  }
0x99: {  	s4 =	simm.s32 $_scs_section_size  }
0x9a: {  	s5 =	simm.s32 $_size__tile_overlayer_lowered;
	s6 =	simm.s32 $_tile_overlayer_lowered  }
0x9b: {  	s22 =	simm.s32 $0x1BFF;
	s21 =	sshll.u32 s6, $0x1;
	s3 =	sadd.s32 s4, s19  }
0x9c: {  	s7 =	simm.s32 $0x0;
	s20 =	sshll.u32 s5, $0x1;
	s5 =	sadd.s32 s21, s3  }
0x9d: {  	[timem:s7], [sflag:s22] =	dma.local [hbm:s5], s20  }
0x9e: {  	_ =	swait.ge [sflag:s22], s20  }
0x9f: {  	s4 =	ssub.s32 $0x0, s20;
	[sflag:s22] =	ssyncset.done $0x0  }
0xa0: {  	[sflag:s22] =	ssyncadd.s32 s4;
	_ =	sdelay $0x1  }
0xa1: {  	s23 =	simm.s32 $0x1B8B  }
0xa2: {  	_ =	swait.ge [sflag:s23], $0x1  }
0xa3: {  	[sflag:s23] =	ssyncset.done $0x0  }
0xa4: {  	s25 =	simm.s32 $0x1B8E;
	s24 =	sld [smem:$0x3FFE];
	[sflag:s23] =	ssyncadd.s32 $0xFFFFFFFF  }
0xa5: {  	s26 =	simm.s32 $execute0_lowered;
	[smem:$0x3FD2] =	sst s25  }
0xa6: {  	s5 =	sshll.u32 s26, $0x1;
	_ =	strace $0x80000046;
	[dreg:$0x1] =	wrdreg $0xFFFFFFFF  }
0xa7: {  	s28 =	simm.s32 $_size_execute0_lowered;
	s3 =	sadd.s32 s3, s5;
	[dreg:$0x0] =	wrdreg $0x0  }
0xa8: {  	s5 =	sshll.u32 s28, $0x1;
	[dreg:$0x2] =	wrdreg s3  }
0xa9: {  	[dreg:$0x3] =	wrdreg s5  }
0xaa: {  	[dreg:$0x4] =	wrdreg $0xC0  }
0xab: {  	_ =	task [dreg:s7], $0x5FFFF  }
0xac: {  	[dreg:$0x1] =	wrdreg $0xFFFFFFFF  }
0xad: {  	[dreg:$0x0] =	wrdreg $0x60  }
0xae: {  	[dreg:$0x2] =	wrdreg s2  }
0xaf: {  	[dreg:$0x3] =	wrdreg s24  }
0xb0: {  	[dreg:$0x4] =	wrdreg $0x9  }
0xb1: {  	_ =	task.clear_ibuf [dreg:s7], $0x5FFFF;
	_ =	strace $0x90000046  }
0xb2: {  	s29 =	simm.s32 $0x9;
	_ =	strace $0x80000048  }
0xb3: {  	_ =	swait.ge [sflag:s29], $0x1  }
0xb4: {  	[sflag:s29] =	ssyncadd.s32 $0xFFFFFFFF  }
0xb5: {  	_ =	strace $0x90000048  }
0xb6: {  	_ =	sfence  }
0xb7: {  	s30 =	sld [smem:$0x0];
	_ =	sdelay $0x2  }
0xb8: {  	s31 =	sshll.u32 s1, $0xD;
	s1 =	sshrl.u32 s1, $0x2  }
0xb9: {  	s3 =	sand.u32 $0x4000, s31;
	s1 =	sadd.s32 s1, s30  }
0xba: {  	s0 =	sor.u32 s3, s0;
	s1 =	sshll.u32 s1, $0x11  }
0xbb: {  	s0 =	sor.u32 s1, s0  }
0xbc: {  	s0 =	sadd.s32 $0x8F2B, s0  }
0xbd: {  	[sflag:s0] =	ssyncadd.remote.s32 $0x1  }
0xbe: {  	_ =	sfence.sel $0xFFFF  }
0xbf: {  	[dreg:$0x0] =	wrdreg $0xFFFFFFFF;
	(pc) =	sbr.abs _section_cstart, $3  }
0xc0: {  	[dreg:$0x1] =	wrdreg $0xFFFFFFFF  }
0xc1: {  	_ =	task.clear_ibuf [dreg:s7], $0x2FFFF;
	_ =	strace $0x9FFFFFFF  }
0xc2: {  	(tm) =	ssettm $0x7FFFFFFF  }
0xc3: {  	_ =	shalt  }
tec
execute0_lowered:
.L_overlay_start_1:
0x0: {  	(tag) =	ssettag $0x1  }
0x1: {  	s5 =	rddreg [dreg:$0x0]  }
0x2: {  	s6 =	rddreg [dreg:$0x1]  }
0x3: {  	s0 =	rddreg [dreg:$0x2];
	s3 =	srdreg.scid  }
0x4: {  	s1 =	stileid.u32;
	s2 =	simm.s32 $0x0;
	s11 =	simm.s32 $0x1  }
0x5: {  	s12 =	simm.s32 $0x1900;
	s13 =	simm.s32 $0x3200;
	s14 =	simm.s32 $0x0  }
0x6: {  	s3 =	sand.u32 $0x1, s3;
	s4 =	sshll.u32 s1, $0x1;
	[smem:$0x7FF] =	sst s2  }
0x7: {  	s4 =	sor.u32 s3, s4;
	_ =	strace $0x80000047;
	s8 =	ssub.s32 $0x2, s3  }
0x8: {  	s3 =	sadd.s32 $0x1800, s6;
	s7 =	smul.u32 $0x320, s4;
	s9 =	sshrl.u32 s8, $0x1  }
0x9: {  	s4 =	sadd.s32 $0x4A00, s6;
	s8 =	ssub.s32 s8, s9;
	s9 =	simm.s32 $0x2  }
0xa: {  	s10 =	sadd.s32 s7, s6;
	s5 =	sadd.s32 s5, s7;
	s8 =	smax.u32 s8, $0x1  }
0xb: {  	s6 =	sadd.s32 $0x7C00, s10;
	s7 =	sadd.s32 $0xE000, s10;
	s10 =	simm.s32 $0x80  }
.LBB2_1:
0xc: {  	[tilespmem:s2], [sflag:$0x2] =	stream.linear.gather [hbm4b:s5+s2], $0x1900, $0x38;
	[tilespmem:$0x4B00] =	vst v63  }
0xd: {  	_ =	swait.ge [sflag:s9], $0x1900  }
0xe: {  	[sflag:s9] =	ssyncset.done $0x0  }
0xf: {  	s15 =	simm.s32 $0x0;
	s16 =	simm.s32 $0x1900;
	[sflag:s9] =	ssyncadd.s32 $0xFFFFE700  }
0x10: {  	[tilespmem:s16], [sflag:$0x1] =	stream.indirect.gather [hbm4b:s3+s10], $0x1, s15, s10, $0xb8;
	[tilespmem:$0x4B00] =	vst v63  }
0x11: {  	s18 =	simm.s32 $0x3200  }
0x12: {  	[tilespmem:s18], [sflag:$0x1] =	stream.indirect.gather [hbm4b:s4+s10], $0x1, s15, s10, $0xb8;
	[tilespmem:$0x4B00] =	vst v63  }
0x13: {  	s19 =	simm.s32 $0x1980;
	s20 =	simm.s32 $0x80  }
0x14: {  	[tilespmem:s19], [sflag:$0x1] =	stream.indirect.gather [hbm4b:s3+s10], $0x1, s20, s10, $0xb8;
	[tilespmem:$0x4B00] =	vst v63  }
0x15: {  	s21 =	simm.s32 $0x3280  }
0x16: {  	[tilespmem:s21], [sflag:$0x1] =	stream.indirect.gather [hbm4b:s4+s10], $0x1, s20, s10, $0xb8;
	[tilespmem:$0x4B00] =	vst v63  }
0x17: {  	s22 =	simm.s32 $0x1A00;
	s23 =	simm.s32 $0x100  }
0x18: {  	[tilespmem:s22], [sflag:$0x1] =	stream.indirect.gather [hbm4b:s3+s10], $0x1, s23, s10, $0xb8;
	[tilespmem:$0x4B00] =	vst v63  }
0x19: {  	s24 =	simm.s32 $0x3300  }
0x1a: {  	[tilespmem:s24], [sflag:$0x1] =	stream.indirect.gather [hbm4b:s4+s10], $0x1, s23, s10, $0xb8;
	[tilespmem:$0x4B00] =	vst v63  }
0x1b: {  	s25 =	simm.s32 $0x1A80;
	s26 =	simm.s32 $0x180  }
0x1c: {  	[tilespmem:s25], [sflag:$0x1] =	stream.indirect.gather [hbm4b:s3+s10], $0x1, s26, s10, $0xb8;
	[tilespmem:$0x4B00] =	vst v63  }
0x1d: {  	s28 =	simm.s32 $0x3380  }
0x1e: {  	[tilespmem:s28], [sflag:$0x1] =	stream.indirect.gather [hbm4b:s4+s10], $0x1, s26, s10, $0xb8;
	[tilespmem:$0x4B00] =	vst v63  }
0x1f: {  	s29 =	simm.s32 $0x1B00;
	s30 =	simm.s32 $0x200  }
0x20: {  	[tilespmem:s29], [sflag:$0x1] =	stream.indirect.gather [hbm4b:s3+s10], $0x1, s30, s10, $0xb8;
	[tilespmem:$0x4B00] =	vst v63  }
0x21: {  	s31 =	simm.s32 $0x3400  }
0x22: {  	[tilespmem:s31], [sflag:$0x1] =	stream.indirect.gather [hbm4b:s4+s10], $0x1, s30, s10, $0xb8;
	[tilespmem:$0x4B00] =	vst v63  }
0x23: {  	s17 =	simm.s32 $0x280;
	s16 =	simm.s32 $0x1B80  }
0x24: {  	[tilespmem:s16], [sflag:$0x1] =	stream.indirect.gather [hbm4b:s3+s10], $0x1, s17, s10, $0xb8;
	[tilespmem:$0x4B00] =	vst v63  }
0x25: {  	s18 =	simm.s32 $0x3480  }
0x26: {  	[tilespmem:s18], [sflag:$0x1] =	stream.indirect.gather [hbm4b:s4+s10], $0x1, s17, s10, $0xb8;
	[tilespmem:$0x4B00] =	vst v63  }
0x27: {  	s19 =	simm.s32 $0x1C00;
	s20 =	simm.s32 $0x300  }
0x28: {  	[tilespmem:s19], [sflag:$0x1] =	stream.indirect.gather [hbm4b:s3+s10], $0x1, s20, s10, $0xb8;
	[tilespmem:$0x4B00] =	vst v63  }
0x29: {  	s21 =	simm.s32 $0x3500  }
0x2a: {  	[tilespmem:s21], [sflag:$0x1] =	stream.indirect.gather [hbm4b:s4+s10], $0x1, s20, s10, $0xb8;
	[tilespmem:$0x4B00] =	vst v63  }
0x2b: {  	s22 =	simm.s32 $0x1C80;
	s23 =	simm.s32 $0x380  }
0x2c: {  	[tilespmem:s22], [sflag:$0x1] =	stream.indirect.gather [hbm4b:s3+s10], $0x1, s23, s10, $0xb8;
	[tilespmem:$0x4B00] =	vst v63  }
0x2d: {  	s24 =	simm.s32 $0x3580  }
0x2e: {  	[tilespmem:s24], [sflag:$0x1] =	stream.indirect.gather [hbm4b:s4+s10], $0x1, s23, s10, $0xb8;
	[tilespmem:$0x4B00] =	vst v63  }
0x2f: {  	s25 =	simm.s32 $0x1D00;
	s26 =	simm.s32 $0x400  }
0x30: {  	[tilespmem:s25], [sflag:$0x1] =	stream.indirect.gather [hbm4b:s3+s10], $0x1, s26, s10, $0xb8;
	[tilespmem:$0x4B00] =	vst v63  }
0x31: {  	s28 =	simm.s32 $0x3600  }
0x32: {  	[tilespmem:s28], [sflag:$0x1] =	stream.indirect.gather [hbm4b:s4+s10], $0x1, s26, s10, $0xb8;
	[tilespmem:$0x4B00] =	vst v63  }
0x33: {  	s29 =	simm.s32 $0x1D80;
	s30 =	simm.s32 $0x480  }
0x34: {  	[tilespmem:s29], [sflag:$0x1] =	stream.indirect.gather [hbm4b:s3+s10], $0x1, s30, s10, $0xb8;
	[tilespmem:$0x4B00] =	vst v63  }
0x35: {  	s31 =	simm.s32 $0x3680  }
0x36: {  	[tilespmem:s31], [sflag:$0x1] =	stream.indirect.gather [hbm4b:s4+s10], $0x1, s30, s10, $0xb8;
	[tilespmem:$0x4B00] =	vst v63  }
0x37: {  	_ =	swait.ge [sflag:s11], $0x80  }
0x38: {  	[sflag:s11] =	ssyncset.done $0x0  }
0x39: {  	[sflag:s11] =	ssyncadd.s32 $0xFFFFFF80  }
0x3a: {  	_ =	swait.ge [sflag:s11], $0x80  }
0x3b: {  	[sflag:s11] =	ssyncset.done $0x0  }
0x3c: {  	[sflag:s11] =	ssyncadd.s32 $0xFFFFFF80  }
0x3d: {  	_ =	swait.ge [sflag:s11], $0x80  }
0x3e: {  	[sflag:s11] =	ssyncset.done $0x0  }
0x3f: {  	[sflag:s11] =	ssyncadd.s32 $0xFFFFFF80  }
0x40: {  	_ =	swait.ge [sflag:s11], $0x80  }
0x41: {  	[sflag:s11] =	ssyncset.done $0x0  }
0x42: {  	[sflag:s11] =	ssyncadd.s32 $0xFFFFFF80  }
0x43: {  	_ =	swait.ge [sflag:s11], $0x80  }
0x44: {  	[sflag:s11] =	ssyncset.done $0x0  }
0x45: {  	[sflag:s11] =	ssyncadd.s32 $0xFFFFFF80  }
0x46: {  	_ =	swait.ge [sflag:s11], $0x80  }
0x47: {  	[sflag:s11] =	ssyncset.done $0x0  }
0x48: {  	[sflag:s11] =	ssyncadd.s32 $0xFFFFFF80  }
0x49: {  	_ =	swait.ge [sflag:s11], $0x80  }
0x4a: {  	[sflag:s11] =	ssyncset.done $0x0  }
0x4b: {  	[sflag:s11] =	ssyncadd.s32 $0xFFFFFF80  }
0x4c: {  	_ =	swait.ge [sflag:s11], $0x80  }
0x4d: {  	[sflag:s11] =	ssyncset.done $0x0  }
0x4e: {  	[sflag:s11] =	ssyncadd.s32 $0xFFFFFF80  }
0x4f: {  	_ =	swait.ge [sflag:s11], $0x80  }
0x50: {  	[sflag:s11] =	ssyncset.done $0x0  }
0x51: {  	[sflag:s11] =	ssyncadd.s32 $0xFFFFFF80  }
0x52: {  	_ =	swait.ge [sflag:s11], $0x80  }
0x53: {  	[sflag:s11] =	ssyncset.done $0x0  }
0x54: {  	[sflag:s11] =	ssyncadd.s32 $0xFFFFFF80  }
0x55: {  	_ =	swait.ge [sflag:s11], $0x80  }
0x56: {  	[sflag:s11] =	ssyncset.done $0x0  }
0x57: {  	[sflag:s11] =	ssyncadd.s32 $0xFFFFFF80  }
0x58: {  	_ =	swait.ge [sflag:s11], $0x80  }
0x59: {  	[sflag:s11] =	ssyncset.done $0x0  }
0x5a: {  	[sflag:s11] =	ssyncadd.s32 $0xFFFFFF80  }
0x5b: {  	_ =	swait.ge [sflag:s11], $0x80  }
0x5c: {  	[sflag:s11] =	ssyncset.done $0x0  }
0x5d: {  	[sflag:s11] =	ssyncadd.s32 $0xFFFFFF80  }
0x5e: {  	_ =	swait.ge [sflag:s11], $0x80  }
0x5f: {  	[sflag:s11] =	ssyncset.done $0x0  }
0x60: {  	[sflag:s11] =	ssyncadd.s32 $0xFFFFFF80  }
0x61: {  	_ =	swait.ge [sflag:s11], $0x80  }
0x62: {  	[sflag:s11] =	ssyncset.done $0x0  }
0x63: {  	[sflag:s11] =	ssyncadd.s32 $0xFFFFFF80  }
0x64: {  	_ =	swait.ge [sflag:s11], $0x80  }
0x65: {  	[sflag:s11] =	ssyncset.done $0x0  }
0x66: {  	[sflag:s11] =	ssyncadd.s32 $0xFFFFFF80  }
0x67: {  	_ =	swait.ge [sflag:s11], $0x80  }
0x68: {  	[sflag:s11] =	ssyncset.done $0x0  }
0x69: {  	[sflag:s11] =	ssyncadd.s32 $0xFFFFFF80  }
0x6a: {  	_ =	swait.ge [sflag:s11], $0x80  }
0x6b: {  	[sflag:s11] =	ssyncset.done $0x0  }
0x6c: {  	[sflag:s11] =	ssyncadd.s32 $0xFFFFFF80  }
0x6d: {  	_ =	swait.ge [sflag:s11], $0x80  }
0x6e: {  	[sflag:s11] =	ssyncset.done $0x0  }
0x6f: {  	[sflag:s11] =	ssyncadd.s32 $0xFFFFFF80  }
0x70: {  	_ =	swait.ge [sflag:s11], $0x80  }
0x71: {  	s18 =	simm.s32 $0x2800;
	s17 =	simm.s32 $0x500;
	[sflag:s11] =	ssyncset.done $0x0  }
.LBB2_2:
0x72: {  	s19 =	sadd.s32 $0x1900, s17  }
0x73: {  	[sflag:s11] =	ssyncadd.s32 $0xFFFFFF80;
	s16 =	smov.u32 s18;
	s15 =	sadd.s32 $0x1400, s18  }
0x74: {  	[tilespmem:s19], [sflag:$0x1] =	stream.indirect.gather [hbm4b:s3+s10], $0x1, s17, s10, $0xb8;
	[tilespmem:$0x4B00] =	vst v63  }
0x75: {  	p0 =	sne.s32 s18, $0x5000;
	s18 =	sadd.s32 $0x3200, s17  }
0x76: {  	[tilespmem:s18], [sflag:$0x1] =	stream.indirect.gather [hbm4b:s4+s10], $0x1, s17, s10, $0xb8;
	[tilespmem:$0x4B00] =	vst v63  }
0x77: {  	s19 =	sadd.s32 $0x80, s17;
	s18 =	sadd.s32 $0x1980, s17  }
0x78: {  	[tilespmem:s18], [sflag:$0x1] =	stream.indirect.gather [hbm4b:s3+s10], $0x1, s19, s10, $0xb8;
	[tilespmem:$0x4B00] =	vst v63  }
0x79: {  	s18 =	sadd.s32 $0x3280, s17  }
0x7a: {  	[tilespmem:s18], [sflag:$0x1] =	stream.indirect.gather [hbm4b:s4+s10], $0x1, s19, s10, $0xb8;
	[tilespmem:$0x4B00] =	vst v63  }
0x7b: {  	s18 =	sadd.s32 $0x1A00, s17;
	s19 =	sadd.s32 $0x100, s17  }
0x7c: {  	[tilespmem:s18], [sflag:$0x1] =	stream.indirect.gather [hbm4b:s3+s10], $0x1, s19, s10, $0xb8;
	[tilespmem:$0x4B00] =	vst v63  }
0x7d: {  	s18 =	sadd.s32 $0x3300, s17  }
0x7e: {  	[tilespmem:s18], [sflag:$0x1] =	stream.indirect.gather [hbm4b:s4+s10], $0x1, s19, s10, $0xb8;
	[tilespmem:$0x4B00] =	vst v63  }
0x7f: {  	s18 =	sadd.s32 $0x1A80, s17;
	s19 =	sadd.s32 $0x180, s17  }
0x80: {  	[tilespmem:s18], [sflag:$0x1] =	stream.indirect.gather [hbm4b:s3+s10], $0x1, s19, s10, $0xb8;
	[tilespmem:$0x4B00] =	vst v63  }
0x81: {  	s18 =	sadd.s32 $0x3380, s17  }
0x82: {  	[tilespmem:s18], [sflag:$0x1] =	stream.indirect.gather [hbm4b:s4+s10], $0x1, s19, s10, $0xb8;
	[tilespmem:$0x4B00] =	vst v63  }
0x83: {  	s18 =	sadd.s32 $0x1B00, s17;
	s19 =	sadd.s32 $0x200, s17  }
0x84: {  	[tilespmem:s18], [sflag:$0x1] =	stream.indirect.gather [hbm4b:s3+s10], $0x1, s19, s10, $0xb8;
	[tilespmem:$0x4B00] =	vst v63  }
0x85: {  	s18 =	sadd.s32 $0x3400, s17  }
0x86: {  	[tilespmem:s18], [sflag:$0x1] =	stream.indirect.gather [hbm4b:s4+s10], $0x1, s19, s10, $0xb8;
	[tilespmem:$0x4B00] =	vst v63  }
0x87: {  	s18 =	sadd.s32 $0x1B80, s17;
	s19 =	sadd.s32 $0x280, s17  }
0x88: {  	[tilespmem:s18], [sflag:$0x1] =	stream.indirect.gather [hbm4b:s3+s10], $0x1, s19, s10, $0xb8;
	[tilespmem:$0x4B00] =	vst v63  }
0x89: {  	s18 =	sadd.s32 $0x3480, s17  }
0x8a: {  	[tilespmem:s18], [sflag:$0x1] =	stream.indirect.gather [hbm4b:s4+s10], $0x1, s19, s10, $0xb8;
	[tilespmem:$0x4B00] =	vst v63  }
0x8b: {  	s18 =	sadd.s32 $0x1C00, s17;
	s19 =	sadd.s32 $0x300, s17  }
0x8c: {  	[tilespmem:s18], [sflag:$0x1] =	stream.indirect.gather [hbm4b:s3+s10], $0x1, s19, s10, $0xb8;
	[tilespmem:$0x4B00] =	vst v63  }
0x8d: {  	s18 =	sadd.s32 $0x3500, s17  }
0x8e: {  	[tilespmem:s18], [sflag:$0x1] =	stream.indirect.gather [hbm4b:s4+s10], $0x1, s19, s10, $0xb8;
	[tilespmem:$0x4B00] =	vst v63  }
0x8f: {  	s18 =	sadd.s32 $0x1C80, s17;
	s19 =	sadd.s32 $0x380, s17  }
0x90: {  	[tilespmem:s18], [sflag:$0x1] =	stream.indirect.gather [hbm4b:s3+s10], $0x1, s19, s10, $0xb8;
	[tilespmem:$0x4B00] =	vst v63  }
0x91: {  	s18 =	sadd.s32 $0x3580, s17  }
0x92: {  	[tilespmem:s18], [sflag:$0x1] =	stream.indirect.gather [hbm4b:s4+s10], $0x1, s19, s10, $0xb8;
	[tilespmem:$0x4B00] =	vst v63  }
0x93: {  	s18 =	sadd.s32 $0x1D00, s17;
	s19 =	sadd.s32 $0x400, s17  }
0x94: {  	[tilespmem:s18], [sflag:$0x1] =	stream.indirect.gather [hbm4b:s3+s10], $0x1, s19, s10, $0xb8;
	[tilespmem:$0x4B00] =	vst v63  }
0x95: {  	s18 =	sadd.s32 $0x3600, s17  }
0x96: {  	[tilespmem:s18], [sflag:$0x1] =	stream.indirect.gather [hbm4b:s4+s10], $0x1, s19, s10, $0xb8;
	[tilespmem:$0x4B00] =	vst v63  }
0x97: {  	s18 =	sadd.s32 $0x1D80, s17;
	s19 =	sadd.s32 $0x480, s17  }
0x98: {  	[tilespmem:s18], [sflag:$0x1] =	stream.indirect.gather [hbm4b:s3+s10], $0x1, s19, s10, $0xb8;
	[tilespmem:$0x4B00] =	vst v63  }
0x99: {  	s17 =	sadd.s32 $0x3680, s17  }
0x9a: {  	[tilespmem:s17], [sflag:$0x1] =	stream.indirect.gather [hbm4b:s4+s10], $0x1, s19, s10, $0xb8;
	[tilespmem:$0x4B00] =	vst v63  }
0x9b: {  	_ =	swait.ge [sflag:s11], $0x80  }
0x9c: {  	[sflag:s11] =	ssyncset.done $0x0  }
0x9d: {  	[sflag:s11] =	ssyncadd.s32 $0xFFFFFF80  }
0x9e: {  	_ =	swait.ge [sflag:s11], $0x80  }
0x9f: {  	[sflag:s11] =	ssyncset.done $0x0  }
0xa0: {  	[sflag:s11] =	ssyncadd.s32 $0xFFFFFF80  }
0xa1: {  	_ =	swait.ge [sflag:s11], $0x80  }
0xa2: {  	[sflag:s11] =	ssyncset.done $0x0  }
0xa3: {  	[sflag:s11] =	ssyncadd.s32 $0xFFFFFF80  }
0xa4: {  	_ =	swait.ge [sflag:s11], $0x80  }
0xa5: {  	[sflag:s11] =	ssyncset.done $0x0  }
0xa6: {  	[sflag:s11] =	ssyncadd.s32 $0xFFFFFF80  }
0xa7: {  	_ =	swait.ge [sflag:s11], $0x80  }
0xa8: {  	[sflag:s11] =	ssyncset.done $0x0  }
0xa9: {  	[sflag:s11] =	ssyncadd.s32 $0xFFFFFF80  }
0xaa: {  	_ =	swait.ge [sflag:s11], $0x80  }
0xab: {  	[sflag:s11] =	ssyncset.done $0x0  }
0xac: {  	[sflag:s11] =	ssyncadd.s32 $0xFFFFFF80  }
0xad: {  	_ =	swait.ge [sflag:s11], $0x80  }
0xae: {  	[sflag:s11] =	ssyncset.done $0x0  }
0xaf: {  	[sflag:s11] =	ssyncadd.s32 $0xFFFFFF80  }
0xb0: {  	_ =	swait.ge [sflag:s11], $0x80  }
0xb1: {  	[sflag:s11] =	ssyncset.done $0x0  }
0xb2: {  	[sflag:s11] =	ssyncadd.s32 $0xFFFFFF80  }
0xb3: {  	_ =	swait.ge [sflag:s11], $0x80  }
0xb4: {  	[sflag:s11] =	ssyncset.done $0x0  }
0xb5: {  	[sflag:s11] =	ssyncadd.s32 $0xFFFFFF80  }
0xb6: {  	_ =	swait.ge [sflag:s11], $0x80  }
0xb7: {  	[sflag:s11] =	ssyncset.done $0x0  }
0xb8: {  	[sflag:s11] =	ssyncadd.s32 $0xFFFFFF80  }
0xb9: {  	_ =	swait.ge [sflag:s11], $0x80  }
0xba: {  	[sflag:s11] =	ssyncset.done $0x0  }
0xbb: {  	[sflag:s11] =	ssyncadd.s32 $0xFFFFFF80  }
0xbc: {  	_ =	swait.ge [sflag:s11], $0x80  }
0xbd: {  	[sflag:s11] =	ssyncset.done $0x0  }
0xbe: {  	[sflag:s11] =	ssyncadd.s32 $0xFFFFFF80  }
0xbf: {  	_ =	swait.ge [sflag:s11], $0x80  }
0xc0: {  	[sflag:s11] =	ssyncset.done $0x0  }
0xc1: {  	[sflag:s11] =	ssyncadd.s32 $0xFFFFFF80  }
0xc2: {  	_ =	swait.ge [sflag:s11], $0x80  }
0xc3: {  	[sflag:s11] =	ssyncset.done $0x0  }
0xc4: {  	[sflag:s11] =	ssyncadd.s32 $0xFFFFFF80  }
0xc5: {  	_ =	swait.ge [sflag:s11], $0x80  }
0xc6: {  	[sflag:s11] =	ssyncset.done $0x0  }
0xc7: {  	[sflag:s11] =	ssyncadd.s32 $0xFFFFFF80  }
0xc8: {  	_ =	swait.ge [sflag:s11], $0x80  }
0xc9: {  	[sflag:s11] =	ssyncset.done $0x0  }
0xca: {  	[sflag:s11] =	ssyncadd.s32 $0xFFFFFF80  }
0xcb: {  	_ =	swait.ge [sflag:s11], $0x80  }
0xcc: {  	[sflag:s11] =	ssyncset.done $0x0  }
0xcd: {  	[sflag:s11] =	ssyncadd.s32 $0xFFFFFF80  }
0xce: {  	_ =	swait.ge [sflag:s11], $0x80  }
0xcf: {  	[sflag:s11] =	ssyncset.done $0x0  }
0xd0: {  	[sflag:s11] =	ssyncadd.s32 $0xFFFFFF80  }
.Ltmp0:
0xd1: {  	_ =	swait.ge [sflag:s11], $0x80;
	(pc) =	sbr.rel @p0 .LBB2_2-.Ltmp0, $4  }
0xd2: {  	[sflag:s11] =	ssyncset.done $0x0  }
0xd3: {  	[sflag:s11] =	ssyncadd.s32 $0xFFFFFF80  }
0xd4: {  	_ =	swait.ge [sflag:s11], $0x80  }
0xd5: {  	s18 =	smov.u32 s15;
	s17 =	sshra.s32 s16, $0x2;
	[sflag:s11] =	ssyncset.done $0x0  }
0xd6: {  	s15 =	sadd.s32 $0x1900, s17;
	[sflag:s11] =	ssyncadd.s32 $0xFFFFFF80  }
0xd7: {  	[tilespmem:s15], [sflag:$0x1] =	stream.indirect.gather [hbm4b:s3+s10], $0x1, s17, s10, $0xb8;
	[tilespmem:$0x4B00] =	vst v63  }
0xd8: {  	s16 =	sadd.s32 $0x3200, s17  }
0xd9: {  	[tilespmem:s16], [sflag:$0x1] =	stream.indirect.gather [hbm4b:s4+s10], $0x1, s17, s10, $0xb8;
	[tilespmem:$0x4B00] =	vst v63  }
0xda: {  	s18 =	sadd.s32 $0x1980, s17;
	s16 =	sadd.s32 $0x80, s17  }
0xdb: {  	[tilespmem:s18], [sflag:$0x1] =	stream.indirect.gather [hbm4b:s3+s10], $0x1, s16, s10, $0xb8;
	[tilespmem:$0x4B00] =	vst v63  }
0xdc: {  	s19 =	sadd.s32 $0x3280, s17  }
0xdd: {  	[tilespmem:s19], [sflag:$0x1] =	stream.indirect.gather [hbm4b:s4+s10], $0x1, s16, s10, $0xb8;
	[tilespmem:$0x4B00] =	vst v63  }
0xde: {  	s20 =	sadd.s32 $0x1A00, s17;
	s21 =	sadd.s32 $0x100, s17  }
0xdf: {  	[tilespmem:s20], [sflag:$0x1] =	stream.indirect.gather [hbm4b:s3+s10], $0x1, s21, s10, $0xb8;
	[tilespmem:$0x4B00] =	vst v63  }
0xe0: {  	s22 =	sadd.s32 $0x3300, s17  }
0xe1: {  	[tilespmem:s22], [sflag:$0x1] =	stream.indirect.gather [hbm4b:s4+s10], $0x1, s21, s10, $0xb8;
	[tilespmem:$0x4B00] =	vst v63  }
0xe2: {  	s23 =	sadd.s32 $0x1A80, s17;
	s24 =	sadd.s32 $0x180, s17  }
0xe3: {  	[tilespmem:s23], [sflag:$0x1] =	stream.indirect.gather [hbm4b:s3+s10], $0x1, s24, s10, $0xb8;
	[tilespmem:$0x4B00] =	vst v63  }
0xe4: {  	s25 =	sadd.s32 $0x3380, s17  }
0xe5: {  	[tilespmem:s25], [sflag:$0x1] =	stream.indirect.gather [hbm4b:s4+s10], $0x1, s24, s10, $0xb8;
	[tilespmem:$0x4B00] =	vst v63  }
0xe6: {  	s26 =	sadd.s32 $0x1B00, s17;
	s28 =	sadd.s32 $0x200, s17  }
0xe7: {  	[tilespmem:s26], [sflag:$0x1] =	stream.indirect.gather [hbm4b:s3+s10], $0x1, s28, s10, $0xb8;
	[tilespmem:$0x4B00] =	vst v63  }
0xe8: {  	s29 =	sadd.s32 $0x3400, s17  }
0xe9: {  	[tilespmem:s29], [sflag:$0x1] =	stream.indirect.gather [hbm4b:s4+s10], $0x1, s28, s10, $0xb8;
	[tilespmem:$0x4B00] =	vst v63  }
0xea: {  	s30 =	sadd.s32 $0x1B80, s17;
	s31 =	sadd.s32 $0x280, s17  }
0xeb: {  	[tilespmem:s30], [sflag:$0x1] =	stream.indirect.gather [hbm4b:s3+s10], $0x1, s31, s10, $0xb8;
	[tilespmem:$0x4B00] =	vst v63  }
0xec: {  	s18 =	sadd.s32 $0x3480, s17  }
0xed: {  	[tilespmem:s18], [sflag:$0x1] =	stream.indirect.gather [hbm4b:s4+s10], $0x1, s31, s10, $0xb8;
	[tilespmem:$0x4B00] =	vst v63  }
0xee: {  	s19 =	sadd.s32 $0x1C00, s17;
	s20 =	sadd.s32 $0x300, s17  }
0xef: {  	[tilespmem:s19], [sflag:$0x1] =	stream.indirect.gather [hbm4b:s3+s10], $0x1, s20, s10, $0xb8;
	[tilespmem:$0x4B00] =	vst v63  }
0xf0: {  	s21 =	sadd.s32 $0x3500, s17  }
0xf1: {  	[tilespmem:s21], [sflag:$0x1] =	stream.indirect.gather [hbm4b:s4+s10], $0x1, s20, s10, $0xb8;
	[tilespmem:$0x4B00] =	vst v63  }
0xf2: {  	s22 =	sadd.s32 $0x1C80, s17;
	s23 =	sadd.s32 $0x380, s17  }
0xf3: {  	[tilespmem:s22], [sflag:$0x1] =	stream.indirect.gather [hbm4b:s3+s10], $0x1, s23, s10, $0xb8;
	[tilespmem:$0x4B00] =	vst v63  }
0xf4: {  	s24 =	sadd.s32 $0x3580, s17  }
0xf5: {  	[tilespmem:s24], [sflag:$0x1] =	stream.indirect.gather [hbm4b:s4+s10], $0x1, s23, s10, $0xb8;
	[tilespmem:$0x4B00] =	vst v63  }
0xf6: {  	s25 =	sadd.s32 $0x1D00, s17;
	s26 =	sadd.s32 $0x400, s17  }
0xf7: {  	[tilespmem:s25], [sflag:$0x1] =	stream.indirect.gather [hbm4b:s3+s10], $0x1, s26, s10, $0xb8;
	[tilespmem:$0x4B00] =	vst v63  }
0xf8: {  	s28 =	sadd.s32 $0x3600, s17  }
0xf9: {  	[tilespmem:s28], [sflag:$0x1] =	stream.indirect.gather [hbm4b:s4+s10], $0x1, s26, s10, $0xb8;
	[tilespmem:$0x4B00] =	vst v63  }
0xfa: {  	s29 =	sadd.s32 $0x1D80, s17;
	s30 =	sadd.s32 $0x480, s17  }
0xfb: {  	[tilespmem:s29], [sflag:$0x1] =	stream.indirect.gather [hbm4b:s3+s10], $0x1, s30, s10, $0xb8;
	[tilespmem:$0x4B00] =	vst v63  }
0xfc: {  	s31 =	sadd.s32 $0x3680, s17  }
0xfd: {  	[tilespmem:s31], [sflag:$0x1] =	stream.indirect.gather [hbm4b:s4+s10], $0x1, s30, s10, $0xb8;
	[tilespmem:$0x4B00] =	vst v63  }
0xfe: {  	_ =	swait.ge [sflag:s11], $0x80  }
0xff: {  	[sflag:s11] =	ssyncset.done $0x0  }
0x100: {  	[sflag:s11] =	ssyncadd.s32 $0xFFFFFF80  }
0x101: {  	_ =	swait.ge [sflag:s11], $0x80  }
0x102: {  	[sflag:s11] =	ssyncset.done $0x0  }
0x103: {  	[sflag:s11] =	ssyncadd.s32 $0xFFFFFF80  }
0x104: {  	_ =	swait.ge [sflag:s11], $0x80  }
0x105: {  	[sflag:s11] =	ssyncset.done $0x0  }
0x106: {  	[sflag:s11] =	ssyncadd.s32 $0xFFFFFF80  }
0x107: {  	_ =	swait.ge [sflag:s11], $0x80  }
0x108: {  	[sflag:s11] =	ssyncset.done $0x0  }
0x109: {  	[sflag:s11] =	ssyncadd.s32 $0xFFFFFF80  }
0x10a: {  	_ =	swait.ge [sflag:s11], $0x80  }
0x10b: {  	[sflag:s11] =	ssyncset.done $0x0  }
0x10c: {  	[sflag:s11] =	ssyncadd.s32 $0xFFFFFF80  }
0x10d: {  	_ =	swait.ge [sflag:s11], $0x80  }
0x10e: {  	[sflag:s11] =	ssyncset.done $0x0  }
0x10f: {  	[sflag:s11] =	ssyncadd.s32 $0xFFFFFF80  }
0x110: {  	_ =	swait.ge [sflag:s11], $0x80  }
0x111: {  	[sflag:s11] =	ssyncset.done $0x0  }
0x112: {  	[sflag:s11] =	ssyncadd.s32 $0xFFFFFF80  }
0x113: {  	_ =	swait.ge [sflag:s11], $0x80  }
0x114: {  	[sflag:s11] =	ssyncset.done $0x0  }
0x115: {  	[sflag:s11] =	ssyncadd.s32 $0xFFFFFF80  }
0x116: {  	_ =	swait.ge [sflag:s11], $0x80  }
0x117: {  	[sflag:s11] =	ssyncset.done $0x0  }
0x118: {  	[sflag:s11] =	ssyncadd.s32 $0xFFFFFF80  }
0x119: {  	_ =	swait.ge [sflag:s11], $0x80  }
0x11a: {  	[sflag:s11] =	ssyncset.done $0x0  }
0x11b: {  	[sflag:s11] =	ssyncadd.s32 $0xFFFFFF80  }
0x11c: {  	_ =	swait.ge [sflag:s11], $0x80  }
0x11d: {  	[sflag:s11] =	ssyncset.done $0x0  }
0x11e: {  	[sflag:s11] =	ssyncadd.s32 $0xFFFFFF80  }
0x11f: {  	_ =	swait.ge [sflag:s11], $0x80  }
0x120: {  	[sflag:s11] =	ssyncset.done $0x0  }
0x121: {  	[sflag:s11] =	ssyncadd.s32 $0xFFFFFF80  }
0x122: {  	_ =	swait.ge [sflag:s11], $0x80  }
0x123: {  	[sflag:s11] =	ssyncset.done $0x0  }
0x124: {  	[sflag:s11] =	ssyncadd.s32 $0xFFFFFF80  }
0x125: {  	_ =	swait.ge [sflag:s11], $0x80  }
0x126: {  	[sflag:s11] =	ssyncset.done $0x0  }
0x127: {  	[sflag:s11] =	ssyncadd.s32 $0xFFFFFF80  }
0x128: {  	_ =	swait.ge [sflag:s11], $0x80  }
0x129: {  	[sflag:s11] =	ssyncset.done $0x0  }
0x12a: {  	[sflag:s11] =	ssyncadd.s32 $0xFFFFFF80  }
0x12b: {  	_ =	swait.ge [sflag:s11], $0x80  }
0x12c: {  	[sflag:s11] =	ssyncset.done $0x0  }
0x12d: {  	[sflag:s11] =	ssyncadd.s32 $0xFFFFFF80  }
0x12e: {  	_ =	swait.ge [sflag:s11], $0x80  }
0x12f: {  	[sflag:s11] =	ssyncset.done $0x0  }
0x130: {  	[sflag:s11] =	ssyncadd.s32 $0xFFFFFF80  }
0x131: {  	_ =	swait.ge [sflag:s11], $0x80  }
0x132: {  	[sflag:s11] =	ssyncset.done $0x0  }
0x133: {  	[sflag:s11] =	ssyncadd.s32 $0xFFFFFF80  }
0x134: {  	_ =	swait.ge [sflag:s11], $0x80  }
0x135: {  	[sflag:s11] =	ssyncset.done $0x0  }
0x136: {  	[sflag:s11] =	ssyncadd.s32 $0xFFFFFF80  }
0x137: {  	_ =	swait.ge [sflag:s11], $0x80  }
0x138: {  	[sflag:s11] =	ssyncset.done $0x0  }
0x139: {  	[sflag:s11] =	ssyncadd.s32 $0xFFFFFF80  }
0x13a: {  	[hbm4b:s6+s2] =	stream.linear.scatter [tilespmem:s12], [sflag:$0x2], $0x1900, $0x38;
	[tilespmem:$0x4B00] =	vst v63  }
0x13b: {  	s14 =	sadd.s32 $0x1, s14;
	_ =	swait.ge [sflag:s9], $0x1900  }
0x13c: {  	p0 =	sne.s32 s14, s8;
	[sflag:s9] =	ssyncset.done $0x0  }
.Ltmp1:
0x13d: {  	[sflag:s9] =	ssyncadd.s32 $0xFFFFE700;
	(pc) =	sbr.rel @p0 .LBB2_1-.Ltmp1, $4  }
0x13e: {  	[hbm4b:s7+s2] =	stream.linear.scatter [tilespmem:s13], [sflag:$0x2], $0x1900, $0x38;
	[tilespmem:$0x4B00] =	vst v63  }
0x13f: {  	_ =	swait.ge [sflag:s9], $0x1900  }
0x140: {  	[sflag:s9] =	ssyncset.done $0x0  }
0x141: {  	[sflag:s9] =	ssyncadd.s32 $0xFFFFE700  }
0x142: {  	_ =	sfence.sel $0x180000  }
0x143: {  	[bflag:$0x0] =	sbarrier.arrive $0xFFFF  }
0x144: {  	p0 =	sne.s32 s1, $0x0;
	_ =	strace $0x90000047  }
0x145: {  	s0 =	sadd.s32 @!p0 $0x100000, s0;
	[bflag:$0x2] =	sbarrier.arrive $0xFFFF  }
0x146: {  	[sflag:s0] =	ssyncadd.tile.s32 @!p0 $0x1;
	_ =	shalt  }
.Lfunc_end2:
_tile_overlayer_lowered:
.L_overlay_start_2:
0x147: {  	(tag) =	ssettag $0x2  }
0x148: {  	s0 =	rddreg [dreg:$0x0];
	s2 =	stileid.u32  }
0x149: {  	s1 =	rddreg [dreg:$0x1];
	p0 =	sne.s32 s2, $0x0  }
0x14a: {  	s3 =	rddreg [dreg:$0x2];
	[bflag:$0x3] =	sbarrier.arrive $0xFFFF;
	s2 =	simm.s32 @!p0 $0x1C02  }
0x14b: {  	[timem:s3], [sflag:s2] =	dma.local @!p0 [hbm:s0], s1  }
0x14c: {  	s0 =	simm.s32 @!p0 $0x2  }
0x14d: {  	_ =	swait.ge @!p0 [sflag:s0], s1  }
0x14e: {  	s1 =	ssub.s32 @!p0 $0x0, s1;
	[sflag:s0] =	ssyncset.done @!p0 $0x0  }
0x14f: {  	[sflag:s0] =	ssyncadd.s32 @!p0 s1  }
0x150: {  	[bflag:$0x3] =	sbarrier.arrive $0xFFFF  }
0x151: {  	_ =	shalt  }

</sc_bundles>
